<compile_context>
chip_gen: v7x
topology: tpu7x:2x2x1
jax: 0.10.2.dev20260603
libtpu: 0.0.44.dev20260713+nightly
codegen_flags: <defaults>
</compile_context>

<pallas_src>
import functools
import itertools

import jax
import jax.numpy as jnp
import numpy as np
from jax import lax
from jax.experimental import pallas as pl
from jax.experimental.pallas import tpu as pltpu
from jax.experimental.pallas import tpu_sc as plsc

N = 10000
E = 320000
D = 128
S = 5
ND = 7
TEMP = 0.5

B = 2000
NB = N // B

_perms = np.array(list(itertools.permutations(range(S))), dtype=np.int32)
_P_pad = np.zeros((128, 128), np.float32)
for _p, _perm in enumerate(_perms):
    for _i, _j in enumerate(_perm):
        _P_pad[5 * _i + _j, _p] = 1.0 / S
_INF_row = np.zeros((1, 128), np.float32)
_INF_row[0, 120:] = 1e30

_MANT08 = 6710887
_MANT08_16 = 52429
_NLO = float(np.nextafter(np.float32(-1.0), np.float32(0.0)))
_SQRT2 = 1.4142135623730951
_GLO = 1e-6
_GHI = 1.0 - 1e-6


def _bits_to_unit(bits):
    m = lax.shift_right_logical(bits, 9)
    fb = lax.bitwise_or(m, jnp.int32(0x3F800000))
    return lax.bitcast_convert_type(fb, jnp.float32) - 1.0


_NC, _NS = 2, 16
_NW = _NC * _NS
_EW = E // _NW
_EK = 80
_ENCH = _EW // _EK
_NPAD = 10112
_RPT = _NPAD // _NS
_TNCH = (S * N) // _EK


def _sc_body(h_hbm, z_hbm, pk_hbm, nidx_hbm, nmsk_hbm,
             agg_hbm, tgt_hbm,
             pk1d, sia, dia, sib, dib, mk_v, rows_a, rows_b, agg_sp,
             sem_a, sem_b):
    ci = lax.axis_index("c")
    sid = lax.axis_index("s")
    w = sid * _NC + ci
    base0 = sid * _RPT
    pltpu.sync_copy(z_hbm.at[pl.ds(base0, _RPT), :],
                    agg_sp.at[pl.ds(base0, _RPT), :])
    pltpu.sync_copy(pk_hbm.at[w], pk1d)
    plsc.subcore_barrier()

    def unpack(c, si_buf, di_buf):
        for j in range(_EK // 16):
            sl = pl.ds(j * 16, 16)
            v = pk1d[pl.ds(c * _EK + j * 16, 16)]
            si_buf[sl] = lax.bitwise_and(v, jnp.int32(0xFFFF))
            di_buf[sl] = lax.shift_right_logical(v, 16)

    unpack(0, sia, dia)
    pltpu.async_copy(h_hbm.at[sia], rows_a, sem_a)

    def ebody(p, carry):
        c0 = 2 * p
        unpack(c0 + 1, sib, dib)
        pltpu.async_copy(h_hbm.at[sib], rows_b, sem_b)
        pltpu.make_async_copy(h_hbm.at[sia], rows_a, sem_a).wait()
        pltpu.sync_copy(rows_a, agg_sp.at[dia], add=True)
        unpack(c0 + 2, sia, dia)
        pltpu.async_copy(h_hbm.at[sia], rows_a, sem_a)
        pltpu.make_async_copy(h_hbm.at[sib], rows_b, sem_b).wait()
        pltpu.sync_copy(rows_b, agg_sp.at[dib], add=True)
        return carry
    lax.fori_loop(0, (_ENCH - 1) // 2, ebody, 0)
    pltpu.make_async_copy(h_hbm.at[sia], rows_a, sem_a).wait()
    pltpu.sync_copy(rows_a, agg_sp.at[dia], add=True)

    plsc.subcore_barrier()
    pltpu.sync_copy(agg_sp.at[pl.ds(base0, _RPT), :],
                    agg_hbm.at[ci, pl.ds(base0, _RPT), :])

    def nprep(c, ib):
        nb = pl.multiple_of(c * _EK, 8)
        pltpu.sync_copy(nidx_hbm.at[pl.ds(nb, _EK)], ib)
        pltpu.sync_copy(nmsk_hbm.at[pl.ds(nb, _EK)], mk_v)
        for j in range(_EK // 16):
            sl = pl.ds(j * 16, 16)
            ib[sl] = jnp.where(mk_v[sl] > 0.0, ib[sl], N)

    def nwrite(c, rows):
        nb = pl.multiple_of(c * _EK, 8)
        pltpu.sync_copy(rows, tgt_hbm.at[pl.ds(nb, _EK), :])

    nprep(w, sia)
    pltpu.async_copy(h_hbm.at[sia], rows_a, sem_a)

    def nbody(p, carry):
        cA = w + _NW * 2 * p
        cB = cA + _NW
        cA2 = cB + _NW
        @pl.when(cB < _TNCH)
        def _():
            nprep(cB, sib)
            pltpu.async_copy(h_hbm.at[sib], rows_b, sem_b)
        @pl.when(cA < _TNCH)
        def _():
            pltpu.make_async_copy(h_hbm.at[sia], rows_a, sem_a).wait()
            nwrite(cA, rows_a)
        @pl.when(cA2 < _TNCH)
        def _():
            nprep(cA2, sia)
            pltpu.async_copy(h_hbm.at[sia], rows_a, sem_a)
        @pl.when(cB < _TNCH)
        def _():
            pltpu.make_async_copy(h_hbm.at[sib], rows_b, sem_b).wait()
            nwrite(cB, rows_b)
        return carry
    lax.fori_loop(0, 10, nbody, 0)


def _run_sc(h_aug, zeros, packed, nidxT, nmskT):
    k = pl.kernel(
        _sc_body,
        out_type=[
            jax.ShapeDtypeStruct((_NC, _NPAD, D), jnp.float32),
            jax.ShapeDtypeStruct((S * N, D), jnp.float32),
        ],
        mesh=plsc.VectorSubcoreMesh(core_axis_name="c", subcore_axis_name="s"),
        scratch_types=[
            pltpu.VMEM((_EW,), jnp.int32),
            pltpu.VMEM((_EK,), jnp.int32),
            pltpu.VMEM((_EK,), jnp.int32),
            pltpu.VMEM((_EK,), jnp.int32),
            pltpu.VMEM((_EK,), jnp.int32),
            pltpu.VMEM((_EK,), jnp.float32),
            pltpu.VMEM((_EK, D), jnp.float32),
            pltpu.VMEM((_EK, D), jnp.float32),
            pltpu.VMEM_SHARED((_NPAD, D), jnp.float32),
            pltpu.SemaphoreType.DMA,
            pltpu.SemaphoreType.DMA,
        ],
    )
    return k(h_aug, zeros, packed, nidxT, nmskT)


def _tc_body(h_ref, a0_ref, a1_ref, tgt_ref, deg_ref,
             W1_ref, b1_ref, W2_ref, b2_ref, cW_ref, cb_ref,
             gm_ref, gls_ref, P_ref, inf_ref,
             gij_ref, loss_ref,
             logs, sigs):
    i = pl.program_id(0)
    r = pl.program_id(1)

    @pl.when(jnp.logical_and(i == 0, r == 0))
    def _():
        loss_ref[0, 0] = 0.0

    @pl.when(r == 0)
    def _():
        x = h_ref[...] + a0_ref[0] + a1_ref[0]
        t1 = jnp.maximum(
            jnp.dot(x, W1_ref[...], preferred_element_type=jnp.float32)
            + b1_ref[...], 0.0)
        gij = (jnp.dot(t1, W2_ref[...], preferred_element_type=jnp.float32)
               + b2_ref[...])
        gij_ref[...] = gij
        logs[...] = (jnp.dot(gij, cW_ref[...],
                             preferred_element_type=jnp.float32) + cb_ref[...])
        sigs[0:35, :] = jnp.exp(gls_ref[...])
        dg = deg_ref[0, 0, :]
        loss_ref[0, 0] += (10.0 / N) * jnp.sum((1.0 - dg) ** 2)

    pltpu.prng_seed(1234567, i * 3 + r)

    ub = pltpu.prng_random_bits((B, 128))
    ug = jnp.maximum(_bits_to_unit(ub) * (_GHI - _GLO) + _GLO, _GLO)
    gum = -jnp.log(-jnp.log(ug))
    zl = (logs[...] + gum) * (1.0 / TEMP)
    zmax = jnp.max(zl, axis=1, keepdims=True)
    ez = jnp.exp(zl - zmax)
    zij = ez / jnp.sum(ez, axis=1, keepdims=True)

    tj = [tgt_ref[j] for j in range(S)]
    b2j = [jnp.sum(t * t, axis=1, keepdims=True) for t in tj]
    lane_iota = lax.broadcasted_iota(jnp.int32, (1, 128), 1)

    def sbody(s, cost):
        mu = jnp.zeros((B, 128), jnp.float32)
        tau2 = jnp.zeros((B, 128), jnp.float32)
        for d in range(ND):
            kb = pltpu.prng_random_bits((B, 128))
            keep = lax.shift_right_logical(kb, 9) < _MANT08
            w = zij[:, d:d + 1] * 1.25
            gmrow = gm_ref[pl.ds(s * ND + d, 1), :]
            sgrow = sigs[pl.ds(s * ND + d, 1), :]
            mu = mu + jnp.where(keep, w * gmrow, 0.0)
            ts = w * sgrow
            tau2 = tau2 + jnp.where(keep, ts * ts, 0.0)
        nb_ = pltpu.prng_random_bits((B, 128))
        un = jnp.maximum(_bits_to_unit(nb_) * (1.0 - _NLO) + _NLO, _NLO)
        xi = _SQRT2 * lax.erf_inv(un)
        nh = mu + jnp.sqrt(tau2) * xi
        a2 = jnp.sum(nh * nh, axis=1, keepdims=True)
        for j in range(S):
            ab = jnp.sum(nh * tj[j], axis=1, keepdims=True)
            col = (a2 + b2j[j] - 2.0 * ab) * (1.0 / D)
            sel = lane_iota == (S * s + j)
            cost = cost + jnp.where(sel, col, 0.0)
        return cost

    cost = lax.fori_loop(0, S, sbody, jnp.zeros((B, 128), jnp.float32))
    pc = (jnp.dot(cost, P_ref[...], preferred_element_type=jnp.float32)
          + inf_ref[...])
    pm = jnp.min(pc, axis=1, keepdims=True)
    loss_ref[0, 0] += jnp.sum(pm) * (1.0 / 3.0)


def _run_tc(h, agg0, agg1, tgt, deg3, W1, b1, W2, b2, cWp, cbp, gm2, gls2):
    P = jnp.asarray(_P_pad)
    infr = jnp.asarray(_INF_row)
    full = lambda i, r: (0, 0)
    grid = (NB, 3)
    gij, loss = pl.pallas_call(
        _tc_body,
        grid=grid,
        in_specs=[
            pl.BlockSpec((B, D), lambda i, r: (i, 0)),
            pl.BlockSpec((1, B, D), lambda i, r: (0, i, 0)),
            pl.BlockSpec((1, B, D), lambda i, r: (1, i, 0)),
            pl.BlockSpec((S, B, D), lambda i, r: (0, i, 0)),
            pl.BlockSpec((1, 1, B), lambda i, r: (i, 0, 0)),
            pl.BlockSpec((D, D), full),
            pl.BlockSpec((1, D), full),
            pl.BlockSpec((D, D), full),
            pl.BlockSpec((1, D), full),
            pl.BlockSpec((D, D), full),
            pl.BlockSpec((1, D), full),
            pl.BlockSpec((S * ND, D), full),
            pl.BlockSpec((S * ND, D), full),
            pl.BlockSpec((D, D), full),
            pl.BlockSpec((1, D), full),
        ],
        out_specs=[
            pl.BlockSpec((B, D), lambda i, r: (i, 0)),
            pl.BlockSpec(memory_space=pltpu.SMEM),
        ],
        out_shape=[
            jax.ShapeDtypeStruct((N, D), jnp.float32),
            jax.ShapeDtypeStruct((1, 1), jnp.float32),
        ],
        scratch_shapes=[
            pltpu.VMEM((B, D), jnp.float32),
            pltpu.VMEM((40, D), jnp.float32),
        ],
    )(h, agg0, agg1, tgt, deg3, W1, b1, W2, b2, cWp, cbp, gm2, gls2, P, infr)
    return gij, loss


def kernel(h, edge_index, degrees, neighbor_idx, neighbor_mask, gin_W1, gin_b1, gin_W2, gin_b2, cls_W, cls_b, g_mean, g_logsig, dd_W1, dd_b1, dd_W2, dd_b2, dd_W3, dd_b3, dd_W4, dd_b4, dd2_W, dd2_b):
    src = edge_index[0].astype(jnp.int32)
    dst = edge_index[1].astype(jnp.int32)

    h_aug = jnp.concatenate([h, jnp.zeros((8, D), jnp.float32)], axis=0)
    zeros = jnp.zeros((_NPAD, D), jnp.float32)
    nidxT = neighbor_idx.astype(jnp.int32).T.reshape(-1)
    nmskT = neighbor_mask.T.reshape(-1)

    packed = (src | (dst << 16)).reshape(_NW, _EW)
    aggs, tgt_flat = _run_sc(h_aug, zeros, packed, nidxT, nmskT)
    tgt = tgt_flat.reshape(S, N, D)

    deg3 = degrees.reshape(NB, 1, B)
    cWp = jnp.zeros((D, D), jnp.float32).at[:, :ND].set(cls_W)
    cbp = jnp.full((1, D), -1e30, jnp.float32).at[0, :ND].set(cls_b)
    gm2 = g_mean.reshape(S * ND, D)
    gls2 = g_logsig.reshape(S * ND, D)

    gij, loss = _run_tc(h, aggs, aggs, tgt, deg3,
                        gin_W1, gin_b1.reshape(1, D), gin_W2,
                        gin_b2.reshape(1, D), cWp, cbp, gm2, gls2)
    return (loss.reshape(()), gij)

# --- scband reference (transcript-rebuilt; emitter-appended) ---
"""Pipeline reference for scband-gnnstruct-encoder-61409442398748 (READ-ONLY COPY).

The authoritative reference and input builder live on the scoring server;
editing this copy changes nothing except your own understanding.
"""

import jax, jax.numpy as jnp
import numpy as np
import itertools

N = 10000
E = 320000
D = 128
S = 5
ND = 7
TEMP = 0.5


def _gumbel_softmax(key, logits, tau):
    u = jax.random.uniform(key, logits.shape, minval=1e-6, maxval=1.0 - 1e-6)
    g = -jnp.log(-jnp.log(u))
    return jax.nn.softmax((logits + g) / tau, axis=-1)


def setup_inputs(seed: int = 0):
    rng = np.random.default_rng(0)
    src = rng.integers(0, N, size=E).astype(np.int64)
    dst = rng.integers(0, N, size=E).astype(np.int64)
    order = np.argsort(dst, kind='stable')
    s_sorted = src[order]
    d_sorted = dst[order]
    starts = np.searchsorted(d_sorted, np.arange(N), side='left')
    ends = np.searchsorted(d_sorted, np.arange(N), side='right')
    deg = (ends - starts).astype(np.float32)
    take = np.minimum(ends - starts, S)
    pos = np.minimum(starts[:, None] + np.arange(S)[None, :], E - 1)
    valid = np.arange(S)[None, :] < take[:, None]
    neighbor_idx = np.where(valid, s_sorted[pos], 0).astype(np.int32)
    neighbor_mask = valid.astype(np.float32)
    key = jax.random.key(seed)
    ks = jax.random.split(key, 16)
    sc = 1.0 / np.sqrt(D)
    u = 0.5 / D
    return {
        'h': jax.random.normal(ks[0], (N, D), jnp.float32),
        'edge_index': jnp.asarray(np.stack([src, dst]), dtype=jnp.int64),
        'degrees': jnp.asarray(deg),
        'neighbor_idx': jnp.asarray(neighbor_idx),
        'neighbor_mask': jnp.asarray(neighbor_mask),
        'gin_W1': jax.random.normal(ks[1], (D, D), jnp.float32) * sc,
        'gin_b1': jnp.zeros((D,), jnp.float32),
        'gin_W2': jax.random.normal(ks[2], (D, D), jnp.float32) * sc,
        'gin_b2': jnp.zeros((D,), jnp.float32),
        'cls_W': jax.random.normal(ks[3], (D, ND), jnp.float32) * sc,
        'cls_b': jnp.zeros((ND,), jnp.float32),
        'g_mean': jax.random.uniform(ks[4], (S, ND, D), jnp.float32, minval=-u, maxval=u),
        'g_logsig': jax.random.uniform(ks[5], (S, ND, D), jnp.float32, minval=-u, maxval=u),
        'dd_W1': jax.random.normal(ks[6], (D, D), jnp.float32) * sc,
        'dd_b1': jnp.zeros((D,), jnp.float32),
        'dd_W2': jax.random.normal(ks[7], (D, D), jnp.float32) * sc,
        'dd_b2': jnp.zeros((D,), jnp.float32),
        'dd_W3': jax.random.normal(ks[8], (D, D), jnp.float32) * sc,
        'dd_b3': jnp.zeros((D,), jnp.float32),
        'dd_W4': jax.random.normal(ks[9], (D, 1), jnp.float32) * sc,
        'dd_b4': jnp.zeros((1,), jnp.float32),
        'dd2_W': jax.random.normal(ks[10], (1, 1), jnp.float32),
        'dd2_b': jnp.zeros((1,), jnp.float32),
    }


def reference(h, edge_index, degrees, neighbor_idx, neighbor_mask, gin_W1, gin_b1, gin_W2, gin_b2, cls_W, cls_b, g_mean, g_logsig, dd_W1, dd_b1, dd_W2, dd_b2, dd_W3, dd_b3, dd_W4, dd_b4, dd2_W, dd2_b):
    src = edge_index[0]
    dst = edge_index[1]
    # GINConv (sum aggregator, eps=0): apply_func(h + sum_{j in N(i)} h_j)
    agg = jax.ops.segment_sum(h[src], dst, num_segments=N)
    x = h + agg
    gij = jnp.maximum(x @ gin_W1 + gin_b1, 0.0) @ gin_W2 + gin_b2
    l4 = h
    # degree decoder: FNN = MLP(4 layers) -> relu -> linear(1,1) -> gumbel_softmax
    t = jnp.maximum(gij @ dd_W1 + dd_b1, 0.0)
    t = jnp.maximum(t @ dd_W2 + dd_b2, 0.0)
    t = jnp.maximum(t @ dd_W3 + dd_b3, 0.0)
    t = t @ dd_W4 + dd_b4
    t = jnp.maximum(t, 0.0) @ dd2_W + dd2_b
    key = jax.random.key(42)
    degree_logits = _gumbel_softmax(jax.random.fold_in(key, 0), t, 1.0)
    degree_loss = jnp.mean((degree_logits - degrees[:, None]) ** 2)
    # neighborhood reconstruction with exact Hungarian matching via brute force over S!=120 permutations
    perms = jnp.asarray(np.array(list(itertools.permutations(range(S)))), dtype=jnp.int32)
    target = l4[neighbor_idx] * neighbor_mask[:, :, None]
    losses = []
    for r in range(3):
        kr = jax.random.fold_in(key, r + 1)
        k1, k2, k3 = jax.random.split(kr, 3)
        zij = _gumbel_softmax(k1, gij @ cls_W + cls_b, TEMP)
        std_z = jax.random.normal(k2, (N, S, ND, D), jnp.float32)
        var = g_mean[None] + jnp.exp(g_logsig)[None] * std_z
        keep = jax.random.bernoulli(k3, 0.8, var.shape)
        var = jnp.where(keep, var / 0.8, 0.0)
        nhij = jnp.einsum('nd,nsdh->nsh', zij, var)
        a2 = jnp.sum(nhij ** 2, axis=-1)
        b2 = jnp.sum(target ** 2, axis=-1)
        ab = jnp.einsum('nid,njd->nij', nhij, target)
        cost = (a2[:, :, None] + b2[:, None, :] - 2.0 * ab) / D
        gathered = cost[:, jnp.arange(S)[None, :], perms]
        perm_cost = jnp.mean(gathered, axis=-1)
        losses.append(jnp.sum(jnp.min(perm_cost, axis=-1)))
    h_loss = jnp.mean(jnp.stack(losses))
    loss = h_loss + degree_loss * 10.0
    return (loss, gij)

if __name__ == "__main__":
    import jax
    _d = setup_inputs()
    print(jax.jit(kernel)(*tuple(_d.values())))

</pallas_src>

<mosaic_0001>
#map = affine_map<(d0, d1) -> (0, 0)>
#map1 = affine_map<(d0, d1) -> (0)>
#map2 = affine_map<(d0, d1) -> (0, 0, 0)>
module attributes {stable_mosaic.version = 14 : i64} {
  func.func @_sc_body(%arg0: i32, %arg1: i32, %arg2: memref<10008x128xf32, #tpu.memory_space<hbm>>, %arg3: memref<10112x128xf32, #tpu.memory_space<hbm>>, %arg4: memref<32x10000xi32, #tpu.memory_space<hbm>>, %arg5: memref<50000xi32, #tpu.memory_space<hbm>>, %arg6: memref<50000xf32, #tpu.memory_space<hbm>>, %arg7: memref<2x10112x128xf32, #tpu.memory_space<hbm>>, %arg8: memref<50000x128xf32, #tpu.memory_space<hbm>>, %arg9: memref<10000xi32, #tpu.memory_space<vmem>>, %arg10: memref<80xi32, #tpu.memory_space<vmem>>, %arg11: memref<80xi32, #tpu.memory_space<vmem>>, %arg12: memref<80xi32, #tpu.memory_space<vmem>>, %arg13: memref<80xi32, #tpu.memory_space<vmem>>, %arg14: memref<80xf32, #tpu.memory_space<vmem>>, %arg15: memref<80x128xf32, #tpu.memory_space<vmem>>, %arg16: memref<80x128xf32, #tpu.memory_space<vmem>>, %arg17: memref<10112x128xf32, #tpu.memory_space<vmem_shared>>, %arg18: memref<!tpu.dma_semaphore, #tpu.memory_space<semaphore_mem>>, %arg19: memref<!tpu.dma_semaphore, #tpu.memory_space<semaphore_mem>>) attributes {dimension_semantics = [#tpu.dimension_semantics<core_parallel>, #tpu.dimension_semantics<subcore_parallel>], iteration_bounds = array<i64: 2, 16>, scalar_prefetch = 0 : i64, scratch_operands = 11 : i64, tpu.core_type = #tpu.core_type<sc_vector_subcore>, window_params = [{transform_indices = #map}, {transform_indices = #map}, {transform_indices = #map}, {transform_indices = #map1}, {transform_indices = #map1}, {transform_indices = #map2}, {transform_indices = #map}]} {
    %mul3A = arith.constant 2 : i32
    %mul3A_0 = arith.muli %arg1, %mul3A : i32
    %add3A = arith.addi %mul3A_0, %arg0 : i32
    %mul3A_1 = arith.constant 632 : i32
    %mul3A_2 = arith.muli %arg1, %mul3A_1 : i32
    "tpu.region"() ({
      %run_scoped3A = tpu.sem_alloc : memref<!tpu.dma_semaphore, #tpu.memory_space<semaphore_mem>>
      %dma_start3A_181 = arith.constant 0 : i32
      %dma_start3A_182 = tpu.memref_slice %arg17[%mul3A_2, %dma_start3A_181] : memref<10112x128xf32, #tpu.memory_space<vmem_shared>> -> memref<632x128xf32, #tpu.memory_space<vmem_shared>>
      %dma_start3A_183 = arith.constant 0 : i32
      %dma_start3A_184 = tpu.memref_slice %arg3[%mul3A_2, %dma_start3A_183] : memref<10112x128xf32, #tpu.memory_space<hbm>> -> memref<632x128xf32, #tpu.memory_space<hbm>>
      tpu.enqueue_dma source(%dma_start3A_184 : memref<632x128xf32, #tpu.memory_space<hbm>>) target(%dma_start3A_182 : memref<632x128xf32, #tpu.memory_space<vmem_shared>>) target_semaphore(%run_scoped3A : memref<!tpu.dma_semaphore, #tpu.memory_space<semaphore_mem>>)
      %dma_wait3A_185 = arith.constant 0 : i32
      %dma_wait3A_186 = tpu.memref_slice %arg17[%mul3A_2, %dma_wait3A_185] : memref<10112x128xf32, #tpu.memory_space<vmem_shared>> -> memref<632x128xf32, #tpu.memory_space<vmem_shared>>
      %dma_wait3A_187 = arith.constant 0 : i32
      %dma_wait3A_188 = tpu.memref_slice %arg3[%mul3A_2, %dma_wait3A_187] : memref<10112x128xf32, #tpu.memory_space<hbm>> -> memref<632x128xf32, #tpu.memory_space<hbm>>
      tpu.wait_dma2 semaphore(%run_scoped3A : memref<!tpu.dma_semaphore, #tpu.memory_space<semaphore_mem>>) src(%dma_wait3A_188 : memref<632x128xf32, #tpu.memory_space<hbm>>) dst(%dma_wait3A_186 : memref<632x128xf32, #tpu.memory_space<vmem_shared>>)
      tpu.yield
    }) : () -> ()
    "tpu.region"() ({
      %run_scoped3A = tpu.sem_alloc : memref<!tpu.dma_semaphore, #tpu.memory_space<semaphore_mem>>
      %dma_start3A_181 = arith.constant 0 : i32
      %dma_start3A_182 = tpu.memref_slice %arg4[%add3A, %dma_start3A_181] : memref<32x10000xi32, #tpu.memory_space<hbm>> -> memref<1x10000xi32, #tpu.memory_space<hbm>>
      %dma_start3A_183 = tpu.memref_squeeze %dma_start3A_182 : memref<1x10000xi32, #tpu.memory_space<hbm>> -> memref<10000xi32, #tpu.memory_space<hbm>>
      %dma_start3A_184 = arith.constant 0 : i32
      %dma_start3A_185 = tpu.memref_slice %arg4[%add3A, %dma_start3A_184] : memref<32x10000xi32, #tpu.memory_space<hbm>> -> memref<1x10000xi32, #tpu.memory_space<hbm>>
      %dma_start3A_186 = tpu.memref_squeeze %dma_start3A_185 : memref<1x10000xi32, #tpu.memory_space<hbm>> -> memref<10000xi32, #tpu.memory_space<hbm>>
      tpu.enqueue_dma source(%dma_start3A_186 : memref<10000xi32, #tpu.memory_space<hbm>>) target(%arg9 : memref<10000xi32, #tpu.memory_space<vmem>>) target_semaphore(%run_scoped3A : memref<!tpu.dma_semaphore, #tpu.memory_space<semaphore_mem>>)
      %dma_wait3A_187 = arith.constant 0 : i32
      %dma_wait3A_188 = tpu.memref_slice %arg4[%add3A, %dma_wait3A_187] : memref<32x10000xi32, #tpu.memory_space<hbm>> -> memref<1x10000xi32, #tpu.memory_space<hbm>>
      %dma_wait3A_189 = tpu.memref_squeeze %dma_wait3A_188 : memref<1x10000xi32, #tpu.memory_space<hbm>> -> memref<10000xi32, #tpu.memory_space<hbm>>
      %dma_wait3A_190 = arith.constant 0 : i32
      %dma_wait3A_191 = tpu.memref_slice %arg4[%add3A, %dma_wait3A_190] : memref<32x10000xi32, #tpu.memory_space<hbm>> -> memref<1x10000xi32, #tpu.memory_space<hbm>>
      %dma_wait3A_192 = tpu.memref_squeeze %dma_wait3A_191 : memref<1x10000xi32, #tpu.memory_space<hbm>> -> memref<10000xi32, #tpu.memory_space<hbm>>
      tpu.wait_dma2 semaphore(%run_scoped3A : memref<!tpu.dma_semaphore, #tpu.memory_space<semaphore_mem>>) src(%dma_wait3A_192 : memref<10000xi32, #tpu.memory_space<hbm>>) dst(%arg9 : memref<10000xi32, #tpu.memory_space<vmem>>)
      tpu.yield
    }) : () -> ()
    %barrier3A = arith.constant 0 : index
    tpu.barrier barrier_id(%barrier3A)
    %get3A = arith.constant 0 : index
    %get3A_3 = tpu.vector_load %arg9[%get3A] {strides = array<i32>} : memref<10000xi32, #tpu.memory_space<vmem>>, vector<16xi32>,
    %get3A_4 = vector.shape_cast %get3A_3 : vector<16xi32> to vector<16xi32>
    %and3A = arith.constant 65535 : i32
    %and3A_5 = vector.broadcast %and3A : i32 to vector<16xi32>
    %and3A_6 = arith.andi %get3A_4, %and3A_5 : vector<16xi32>
    %swap3A = arith.constant 0 : index
    %swap3A_7 = tpu.vector_load %arg10[%swap3A] {strides = array<i32>} : memref<80xi32, #tpu.memory_space<vmem>>, vector<16xi32>,
    %swap3A_8 = vector.shape_cast %swap3A_7 : vector<16xi32> to vector<16xi32>
    %swap3A_9 = vector.shape_cast %and3A_6 : vector<16xi32> to vector<16xi32>
    tpu.vector_store %arg10[%swap3A], %swap3A_9 {strides = array<i32>} : memref<80xi32, #tpu.memory_space<vmem>>, vector<16xi32>,
    %shift_right_logical3A = arith.constant 16 : i32
    %shift_right_logical3A_10 = vector.broadcast %shift_right_logical3A : i32 to vector<16xi32>
    %shift_right_logical3A_11 = arith.shrui %get3A_4, %shift_right_logical3A_10 : vector<16xi32>
    %swap3A_12 = arith.constant 0 : index
    %swap3A_13 = tpu.vector_load %arg11[%swap3A_12] {strides = array<i32>} : memref<80xi32, #tpu.memory_space<vmem>>, vector<16xi32>,
    %swap3A_14 = vector.shape_cast %swap3A_13 : vector<16xi32> to vector<16xi32>
    %swap3A_15 = vector.shape_cast %shift_right_logical3A_11 : vector<16xi32> to vector<16xi32>
    tpu.vector_store %arg11[%swap3A_12], %swap3A_15 {strides = array<i32>} : memref<80xi32, #tpu.memory_space<vmem>>, vector<16xi32>,
    %get3A_16 = arith.constant 16 : index
    %get3A_17 = tpu.vector_load %arg9[%get3A_16] {strides = array<i32>} : memref<10000xi32, #tpu.memory_space<vmem>>, vector<16xi32>,
    %get3A_18 = vector.shape_cast %get3A_17 : vector<16xi32> to vector<16xi32>
    %and3A_19 = arith.constant 65535 : i32
    %and3A_20 = vector.broadcast %and3A_19 : i32 to vector<16xi32>
    %and3A_21 = arith.andi %get3A_18, %and3A_20 : vector<16xi32>
    %swap3A_22 = arith.constant 16 : index
    %swap3A_23 = tpu.vector_load %arg10[%swap3A_22] {strides = array<i32>} : memref<80xi32, #tpu.memory_space<vmem>>, vector<16xi32>,
    %swap3A_24 = vector.shape_cast %swap3A_23 : vector<16xi32> to vector<16xi32>
    %swap3A_25 = vector.shape_cast %and3A_21 : vector<16xi32> to vector<16xi32>
    tpu.vector_store %arg10[%swap3A_22], %swap3A_25 {strides = array<i32>} : memref<80xi32, #tpu.memory_space<vmem>>, vector<16xi32>,
    %shift_right_logical3A_26 = arith.constant 16 : i32
    %shift_right_logical3A_27 = vector.broadcast %shift_right_logical3A_26 : i32 to vector<16xi32>
    %shift_right_logical3A_28 = arith.shrui %get3A_18, %shift_right_logical3A_27 : vector<16xi32>
    %swap3A_29 = arith.constant 16 : index
    %swap3A_30 = tpu.vector_load %arg11[%swap3A_29] {strides = array<i32>} : memref<80xi32, #tpu.memory_space<vmem>>, vector<16xi32>,
    %swap3A_31 = vector.shape_cast %swap3A_30 : vector<16xi32> to vector<16xi32>
    %swap3A_32 = vector.shape_cast %shift_right_logical3A_28 : vector<16xi32> to vector<16xi32>
    tpu.vector_store %arg11[%swap3A_29], %swap3A_32 {strides = array<i32>} : memref<80xi32, #tpu.memory_space<vmem>>, vector<16xi32>,
    %get3A_33 = arith.constant 32 : index
    %get3A_34 = tpu.vector_load %arg9[%get3A_33] {strides = array<i32>} : memref<10000xi32, #tpu.memory_space<vmem>>, vector<16xi32>,
    %get3A_35 = vector.shape_cast %get3A_34 : vector<16xi32> to vector<16xi32>
    %and3A_36 = arith.constant 65535 : i32
    %and3A_37 = vector.broadcast %and3A_36 : i32 to vector<16xi32>
    %and3A_38 = arith.andi %get3A_35, %and3A_37 : vector<16xi32>
    %swap3A_39 = arith.constant 32 : index
    %swap3A_40 = tpu.vector_load %arg10[%swap3A_39] {strides = array<i32>} : memref<80xi32, #tpu.memory_space<vmem>>, vector<16xi32>,
    %swap3A_41 = vector.shape_cast %swap3A_40 : vector<16xi32> to vector<16xi32>
    %swap3A_42 = vector.shape_cast %and3A_38 : vector<16xi32> to vector<16xi32>
    tpu.vector_store %arg10[%swap3A_39], %swap3A_42 {strides = array<i32>} : memref<80xi32, #tpu.memory_space<vmem>>, vector<16xi32>,
    %shift_right_logical3A_43 = arith.constant 16 : i32
    %shift_right_logical3A_44 = vector.broadcast %shift_right_logical3A_43 : i32 to vector<16xi32>
    %shift_right_logical3A_45 = arith.shrui %get3A_35, %shift_right_logical3A_44 : vector<16xi32>
    %swap3A_46 = arith.constant 32 : index
    %swap3A_47 = tpu.vector_load %arg11[%swap3A_46] {strides = array<i32>} : memref<80xi32, #tpu.memory_space<vmem>>, vector<16xi32>,
    %swap3A_48 = vector.shape_cast %swap3A_47 : vector<16xi32> to vector<16xi32>
    %swap3A_49 = vector.shape_cast %shift_right_logical3A_45 : vector<16xi32> to vector<16xi32>
    tpu.vector_store %arg11[%swap3A_46], %swap3A_49 {strides = array<i32>} : memref<80xi32, #tpu.memory_space<vmem>>, vector<16xi32>,
    %get3A_50 = arith.constant 48 : index
    %get3A_51 = tpu.vector_load %arg9[%get3A_50] {strides = array<i32>} : memref<10000xi32, #tpu.memory_space<vmem>>, vector<16xi32>,
    %get3A_52 = vector.shape_cast %get3A_51 : vector<16xi32> to vector<16xi32>
    %and3A_53 = arith.constant 65535 : i32
    %and3A_54 = vector.broadcast %and3A_53 : i32 to vector<16xi32>
    %and3A_55 = arith.andi %get3A_52, %and3A_54 : vector<16xi32>
    %swap3A_56 = arith.constant 48 : index
    %swap3A_57 = tpu.vector_load %arg10[%swap3A_56] {strides = array<i32>} : memref<80xi32, #tpu.memory_space<vmem>>, vector<16xi32>,
    %swap3A_58 = vector.shape_cast %swap3A_57 : vector<16xi32> to vector<16xi32>
    %swap3A_59 = vector.shape_cast %and3A_55 : vector<16xi32> to vector<16xi32>
    tpu.vector_store %arg10[%swap3A_56], %swap3A_59 {strides = array<i32>} : memref<80xi32, #tpu.memory_space<vmem>>, vector<16xi32>,
    %shift_right_logical3A_60 = arith.constant 16 : i32
    %shift_right_logical3A_61 = vector.broadcast %shift_right_logical3A_60 : i32 to vector<16xi32>
    %shift_right_logical3A_62 = arith.shrui %get3A_52, %shift_right_logical3A_61 : vector<16xi32>
    %swap3A_63 = arith.constant 48 : index
    %swap3A_64 = tpu.vector_load %arg11[%swap3A_63] {strides = array<i32>} : memref<80xi32, #tpu.memory_space<vmem>>, vector<16xi32>,
    %swap3A_65 = vector.shape_cast %swap3A_64 : vector<16xi32> to vector<16xi32>
    %swap3A_66 = vector.shape_cast %shift_right_logical3A_62 : vector<16xi32> to vector<16xi32>
    tpu.vector_store %arg11[%swap3A_63], %swap3A_66 {strides = array<i32>} : memref<80xi32, #tpu.memory_space<vmem>>, vector<16xi32>,
    %get3A_67 = arith.constant 64 : index
    %get3A_68 = tpu.vector_load %arg9[%get3A_67] {strides = array<i32>} : memref<10000xi32, #tpu.memory_space<vmem>>, vector<16xi32>,
    %get3A_69 = vector.shape_cast %get3A_68 : vector<16xi32> to vector<16xi32>
    %and3A_70 = arith.constant 65535 : i32
    %and3A_71 = vector.broadcast %and3A_70 : i32 to vector<16xi32>
    %and3A_72 = arith.andi %get3A_69, %and3A_71 : vector<16xi32>
    %swap3A_73 = arith.constant 64 : index
    %swap3A_74 = tpu.vector_load %arg10[%swap3A_73] {strides = array<i32>} : memref<80xi32, #tpu.memory_space<vmem>>, vector<16xi32>,
    %swap3A_75 = vector.shape_cast %swap3A_74 : vector<16xi32> to vector<16xi32>
    %swap3A_76 = vector.shape_cast %and3A_72 : vector<16xi32> to vector<16xi32>
    tpu.vector_store %arg10[%swap3A_73], %swap3A_76 {strides = array<i32>} : memref<80xi32, #tpu.memory_space<vmem>>, vector<16xi32>,
    %shift_right_logical3A_77 = arith.constant 16 : i32
    %shift_right_logical3A_78 = vector.broadcast %shift_right_logical3A_77 : i32 to vector<16xi32>
    %shift_right_logical3A_79 = arith.shrui %get3A_69, %shift_right_logical3A_78 : vector<16xi32>
    %swap3A_80 = arith.constant 64 : index
    %swap3A_81 = tpu.vector_load %arg11[%swap3A_80] {strides = array<i32>} : memref<80xi32, #tpu.memory_space<vmem>>, vector<16xi32>,
    %swap3A_82 = vector.shape_cast %swap3A_81 : vector<16xi32> to vector<16xi32>
    %swap3A_83 = vector.shape_cast %shift_right_logical3A_79 : vector<16xi32> to vector<16xi32>
    tpu.vector_store %arg11[%swap3A_80], %swap3A_83 {strides = array<i32>} : memref<80xi32, #tpu.memory_space<vmem>>, vector<16xi32>,
    %dma_start3A = arith.constant 0 : i32
    %dma_start3A_84 = arith.constant 0 : i32
    %dma_start3A_85 = tpu.memref_slice %arg2[%dma_start3A, %dma_start3A_84] : memref<10008x128xf32, #tpu.memory_space<hbm>> -> memref<10008x128xf32, #tpu.memory_space<hbm>>
    tpu.enqueue_indirect_dma source(%dma_start3A_85 : memref<10008x128xf32, #tpu.memory_space<hbm>>) target(%arg15 : memref<80x128xf32, #tpu.memory_space<vmem>>) offsets(%arg10 : memref<80xi32, #tpu.memory_space<vmem>>) semaphore(%arg18 : memref<!tpu.dma_semaphore, #tpu.memory_space<semaphore_mem>>)
    %scan3A = arith.constant 0 : i32
    %scan3A_86 = arith.constant 0 : i32
    %scan3A_87 = arith.constant 62 : i32
    %scan3A_88 = arith.addi %scan3A_86, %scan3A_87 : i32
    %scan3A_89 = arith.constant 1 : i32
    scf.for %scan3A_181 = %scan3A_86 to %scan3A_88 step %scan3A_89  : i32 {
      %mul3A_182 = arith.constant 2 : i32
      %mul3A_183 = arith.muli %mul3A_182, %scan3A_181 : i32
      %add3A_184 = arith.constant 1 : i32
      %add3A_185 = arith.addi %mul3A_183, %add3A_184 : i32
      %mul3A_186 = arith.constant 80 : i32
      %mul3A_187 = arith.muli %add3A_185, %mul3A_186 : i32
      %add3A_188 = arith.constant 0 : i32
      %add3A_189 = arith.addi %mul3A_187, %add3A_188 : i32
      %get3A_190 = arith.index_cast %add3A_189 : i32 to index
      %get3A_191 = tpu.vector_load %arg9[%get3A_190] {strides = array<i32>} : memref<10000xi32, #tpu.memory_space<vmem>>, vector<16xi32>,
      %get3A_192 = vector.shape_cast %get3A_191 : vector<16xi32> to vector<16xi32>
      %and3A_193 = arith.constant 65535 : i32
      %and3A_194 = vector.broadcast %and3A_193 : i32 to vector<16xi32>
      %and3A_195 = arith.andi %get3A_192, %and3A_194 : vector<16xi32>
      %swap3A_196 = arith.constant 0 : index
      %swap3A_197 = tpu.vector_load %arg12[%swap3A_196] {strides = array<i32>} : memref<80xi32, #tpu.memory_space<vmem>>, vector<16xi32>,
      %swap3A_198 = vector.shape_cast %swap3A_197 : vector<16xi32> to vector<16xi32>
      %swap3A_199 = vector.shape_cast %and3A_195 : vector<16xi32> to vector<16xi32>
      tpu.vector_store %arg12[%swap3A_196], %swap3A_199 {strides = array<i32>} : memref<80xi32, #tpu.memory_space<vmem>>, vector<16xi32>,
      %shift_right_logical3A_200 = arith.constant 16 : i32
      %shift_right_logical3A_201 = vector.broadcast %shift_right_logical3A_200 : i32 to vector<16xi32>
      %shift_right_logical3A_202 = arith.shrui %get3A_192, %shift_right_logical3A_201 : vector<16xi32>
      %swap3A_203 = arith.constant 0 : index
      %swap3A_204 = tpu.vector_load %arg13[%swap3A_203] {strides = array<i32>} : memref<80xi32, #tpu.memory_space<vmem>>, vector<16xi32>,
      %swap3A_205 = vector.shape_cast %swap3A_204 : vector<16xi32> to vector<16xi32>
      %swap3A_206 = vector.shape_cast %shift_right_logical3A_202 : vector<16xi32> to vector<16xi32>
      tpu.vector_store %arg13[%swap3A_203], %swap3A_206 {strides = array<i32>} : memref<80xi32, #tpu.memory_space<vmem>>, vector<16xi32>,
      %mul3A_207 = arith.constant 80 : i32
      %mul3A_208 = arith.muli %add3A_185, %mul3A_207 : i32
      %add3A_209 = arith.constant 16 : i32
      %add3A_210 = arith.addi %mul3A_208, %add3A_209 : i32
      %get3A_211 = arith.index_cast %add3A_210 : i32 to index
      %get3A_212 = tpu.vector_load %arg9[%get3A_211] {strides = array<i32>} : memref<10000xi32, #tpu.memory_space<vmem>>, vector<16xi32>,
      %get3A_213 = vector.shape_cast %get3A_212 : vector<16xi32> to vector<16xi32>
      %and3A_214 = arith.constant 65535 : i32
      %and3A_215 = vector.broadcast %and3A_214 : i32 to vector<16xi32>
      %and3A_216 = arith.andi %get3A_213, %and3A_215 : vector<16xi32>
      %swap3A_217 = arith.constant 16 : index
      %swap3A_218 = tpu.vector_load %arg12[%swap3A_217] {strides = array<i32>} : memref<80xi32, #tpu.memory_space<vmem>>, vector<16xi32>,
      %swap3A_219 = vector.shape_cast %swap3A_218 : vector<16xi32> to vector<16xi32>
      %swap3A_220 = vector.shape_cast %and3A_216 : vector<16xi32> to vector<16xi32>
      tpu.vector_store %arg12[%swap3A_217], %swap3A_220 {strides = array<i32>} : memref<80xi32, #tpu.memory_space<vmem>>, vector<16xi32>,
      %shift_right_logical3A_221 = arith.constant 16 : i32
      %shift_right_logical3A_222 = vector.broadcast %shift_right_logical3A_221 : i32 to vector<16xi32>
      %shift_right_logical3A_223 = arith.shrui %get3A_213, %shift_right_logical3A_222 : vector<16xi32>
      %swap3A_224 = arith.constant 16 : index
      %swap3A_225 = tpu.vector_load %arg13[%swap3A_224] {strides = array<i32>} : memref<80xi32, #tpu.memory_space<vmem>>, vector<16xi32>,
      %swap3A_226 = vector.shape_cast %swap3A_225 : vector<16xi32> to vector<16xi32>
      %swap3A_227 = vector.shape_cast %shift_right_logical3A_223 : vector<16xi32> to vector<16xi32>
      tpu.vector_store %arg13[%swap3A_224], %swap3A_227 {strides = array<i32>} : memref<80xi32, #tpu.memory_space<vmem>>, vector<16xi32>,
      %mul3A_228 = arith.constant 80 : i32
      %mul3A_229 = arith.muli %add3A_185, %mul3A_228 : i32
      %add3A_230 = arith.constant 32 : i32
      %add3A_231 = arith.addi %mul3A_229, %add3A_230 : i32
      %get3A_232 = arith.index_cast %add3A_231 : i32 to index
      %get3A_233 = tpu.vector_load %arg9[%get3A_232] {strides = array<i32>} : memref<10000xi32, #tpu.memory_space<vmem>>, vector<16xi32>,
      %get3A_234 = vector.shape_cast %get3A_233 : vector<16xi32> to vector<16xi32>
      %and3A_235 = arith.constant 65535 : i32
      %and3A_236 = vector.broadcast %and3A_235 : i32 to vector<16xi32>
      %and3A_237 = arith.andi %get3A_234, %and3A_236 : vector<16xi32>
      %swap3A_238 = arith.constant 32 : index
      %swap3A_239 = tpu.vector_load %arg12[%swap3A_238] {strides = array<i32>} : memref<80xi32, #tpu.memory_space<vmem>>, vector<16xi32>,
      %swap3A_240 = vector.shape_cast %swap3A_239 : vector<16xi32> to vector<16xi32>
      %swap3A_241 = vector.shape_cast %and3A_237 : vector<16xi32> to vector<16xi32>
      tpu.vector_store %arg12[%swap3A_238], %swap3A_241 {strides = array<i32>} : memref<80xi32, #tpu.memory_space<vmem>>, vector<16xi32>,
      %shift_right_logical3A_242 = arith.constant 16 : i32
      %shift_right_logical3A_243 = vector.broadcast %shift_right_logical3A_242 : i32 to vector<16xi32>
      %shift_right_logical3A_244 = arith.shrui %get3A_234, %shift_right_logical3A_243 : vector<16xi32>
      %swap3A_245 = arith.constant 32 : index
      %swap3A_246 = tpu.vector_load %arg13[%swap3A_245] {strides = array<i32>} : memref<80xi32, #tpu.memory_space<vmem>>, vector<16xi32>,
      %swap3A_247 = vector.shape_cast %swap3A_246 : vector<16xi32> to vector<16xi32>
      %swap3A_248 = vector.shape_cast %shift_right_logical3A_244 : vector<16xi32> to vector<16xi32>
      tpu.vector_store %arg13[%swap3A_245], %swap3A_248 {strides = array<i32>} : memref<80xi32, #tpu.memory_space<vmem>>, vector<16xi32>,
      %mul3A_249 = arith.constant 80 : i32
      %mul3A_250 = arith.muli %add3A_185, %mul3A_249 : i32
      %add3A_251 = arith.constant 48 : i32
      %add3A_252 = arith.addi %mul3A_250, %add3A_251 : i32
      %get3A_253 = arith.index_cast %add3A_252 : i32 to index
      %get3A_254 = tpu.vector_load %arg9[%get3A_253] {strides = array<i32>} : memref<10000xi32, #tpu.memory_space<vmem>>, vector<16xi32>,
      %get3A_255 = vector.shape_cast %get3A_254 : vector<16xi32> to vector<16xi32>
      %and3A_256 = arith.constant 65535 : i32
      %and3A_257 = vector.broadcast %and3A_256 : i32 to vector<16xi32>
      %and3A_258 = arith.andi %get3A_255, %and3A_257 : vector<16xi32>
      %swap3A_259 = arith.constant 48 : index
      %swap3A_260 = tpu.vector_load %arg12[%swap3A_259] {strides = array<i32>} : memref<80xi32, #tpu.memory_space<vmem>>, vector<16xi32>,
      %swap3A_261 = vector.shape_cast %swap3A_260 : vector<16xi32> to vector<16xi32>
      %swap3A_262 = vector.shape_cast %and3A_258 : vector<16xi32> to vector<16xi32>
      tpu.vector_store %arg12[%swap3A_259], %swap3A_262 {strides = array<i32>} : memref<80xi32, #tpu.memory_space<vmem>>, vector<16xi32>,
      %shift_right_logical3A_263 = arith.constant 16 : i32
      %shift_right_logical3A_264 = vector.broadcast %shift_right_logical3A_263 : i32 to vector<16xi32>
      %shift_right_logical3A_265 = arith.shrui %get3A_255, %shift_right_logical3A_264 : vector<16xi32>
      %swap3A_266 = arith.constant 48 : index
      %swap3A_267 = tpu.vector_load %arg13[%swap3A_266] {strides = array<i32>} : memref<80xi32, #tpu.memory_space<vmem>>, vector<16xi32>,
      %swap3A_268 = vector.shape_cast %swap3A_267 : vector<16xi32> to vector<16xi32>
      %swap3A_269 = vector.shape_cast %shift_right_logical3A_265 : vector<16xi32> to vector<16xi32>
      tpu.vector_store %arg13[%swap3A_266], %swap3A_269 {strides = array<i32>} : memref<80xi32, #tpu.memory_space<vmem>>, vector<16xi32>,
      %mul3A_270 = arith.constant 80 : i32
      %mul3A_271 = arith.muli %add3A_185, %mul3A_270 : i32
      %add3A_272 = arith.constant 64 : i32
      %add3A_273 = arith.addi %mul3A_271, %add3A_272 : i32
      %get3A_274 = arith.index_cast %add3A_273 : i32 to index
      %get3A_275 = tpu.vector_load %arg9[%get3A_274] {strides = array<i32>} : memref<10000xi32, #tpu.memory_space<vmem>>, vector<16xi32>,
      %get3A_276 = vector.shape_cast %get3A_275 : vector<16xi32> to vector<16xi32>
      %and3A_277 = arith.constant 65535 : i32
      %and3A_278 = vector.broadcast %and3A_277 : i32 to vector<16xi32>
      %and3A_279 = arith.andi %get3A_276, %and3A_278 : vector<16xi32>
      %swap3A_280 = arith.constant 64 : index
      %swap3A_281 = tpu.vector_load %arg12[%swap3A_280] {strides = array<i32>} : memref<80xi32, #tpu.memory_space<vmem>>, vector<16xi32>,
      %swap3A_282 = vector.shape_cast %swap3A_281 : vector<16xi32> to vector<16xi32>
      %swap3A_283 = vector.shape_cast %and3A_279 : vector<16xi32> to vector<16xi32>
      tpu.vector_store %arg12[%swap3A_280], %swap3A_283 {strides = array<i32>} : memref<80xi32, #tpu.memory_space<vmem>>, vector<16xi32>,
      %shift_right_logical3A_284 = arith.constant 16 : i32
      %shift_right_logical3A_285 = vector.broadcast %shift_right_logical3A_284 : i32 to vector<16xi32>
      %shift_right_logical3A_286 = arith.shrui %get3A_276, %shift_right_logical3A_285 : vector<16xi32>
      %swap3A_287 = arith.constant 64 : index
      %swap3A_288 = tpu.vector_load %arg13[%swap3A_287] {strides = array<i32>} : memref<80xi32, #tpu.memory_space<vmem>>, vector<16xi32>,
      %swap3A_289 = vector.shape_cast %swap3A_288 : vector<16xi32> to vector<16xi32>
      %swap3A_290 = vector.shape_cast %shift_right_logical3A_286 : vector<16xi32> to vector<16xi32>
      tpu.vector_store %arg13[%swap3A_287], %swap3A_290 {strides = array<i32>} : memref<80xi32, #tpu.memory_space<vmem>>, vector<16xi32>,
      %dma_start3A_291 = arith.constant 0 : i32
      %dma_start3A_292 = arith.constant 0 : i32
      %dma_start3A_293 = tpu.memref_slice %arg2[%dma_start3A_291, %dma_start3A_292] : memref<10008x128xf32, #tpu.memory_space<hbm>> -> memref<10008x128xf32, #tpu.memory_space<hbm>>
      tpu.enqueue_indirect_dma source(%dma_start3A_293 : memref<10008x128xf32, #tpu.memory_space<hbm>>) target(%arg16 : memref<80x128xf32, #tpu.memory_space<vmem>>) offsets(%arg12 : memref<80xi32, #tpu.memory_space<vmem>>) semaphore(%arg19 : memref<!tpu.dma_semaphore, #tpu.memory_space<semaphore_mem>>)
      %dma_wait3A_294 = arith.constant 0 : i32
      %dma_wait3A_295 = arith.constant 0 : i32
      %dma_wait3A_296 = tpu.memref_slice %arg2[%dma_wait3A_294, %dma_wait3A_295] : memref<10008x128xf32, #tpu.memory_space<hbm>> -> memref<10008x128xf32, #tpu.memory_space<hbm>>
      tpu.wait_indirect_dma semaphore(%arg18 : memref<!tpu.dma_semaphore, #tpu.memory_space<semaphore_mem>>) src(%dma_wait3A_296 : memref<10008x128xf32, #tpu.memory_space<hbm>>) dst(%arg15 : memref<80x128xf32, #tpu.memory_space<vmem>>)
      "tpu.region"() ({
        %run_scoped3A = tpu.sem_alloc : memref<!tpu.dma_semaphore, #tpu.memory_space<semaphore_mem>>
        %dma_start3A_410 = arith.constant 0 : i32
        %dma_start3A_411 = arith.constant 0 : i32
        %dma_start3A_412 = tpu.memref_slice %arg17[%dma_start3A_410, %dma_start3A_411] : memref<10112x128xf32, #tpu.memory_space<vmem_shared>> -> memref<10112x128xf32, #tpu.memory_space<vmem_shared>>
        tpu.enqueue_indirect_dma source(%arg15 : memref<80x128xf32, #tpu.memory_space<vmem>>) target(%dma_start3A_412 : memref<10112x128xf32, #tpu.memory_space<vmem_shared>>) offsets(%arg11 : memref<80xi32, #tpu.memory_space<vmem>>) semaphore(%run_scoped3A : memref<!tpu.dma_semaphore, #tpu.memory_space<semaphore_mem>>) {add = true}
        %dma_wait3A_413 = arith.constant 0 : i32
        %dma_wait3A_414 = arith.constant 0 : i32
        %dma_wait3A_415 = tpu.memref_slice %arg17[%dma_wait3A_413, %dma_wait3A_414] : memref<10112x128xf32, #tpu.memory_space<vmem_shared>> -> memref<10112x128xf32, #tpu.memory_space<vmem_shared>>
        tpu.wait_indirect_dma semaphore(%run_scoped3A : memref<!tpu.dma_semaphore, #tpu.memory_space<semaphore_mem>>) src(%arg15 : memref<80x128xf32, #tpu.memory_space<vmem>>) dst(%dma_wait3A_415 : memref<10112x128xf32, #tpu.memory_space<vmem_shared>>)
        tpu.yield
      }) : () -> ()
      %add3A_297 = arith.constant 2 : i32
      %add3A_298 = arith.addi %mul3A_183, %add3A_297 : i32
      %mul3A_299 = arith.constant 80 : i32
      %mul3A_300 = arith.muli %add3A_298, %mul3A_299 : i32
      %add3A_301 = arith.constant 0 : i32
      %add3A_302 = arith.addi %mul3A_300, %add3A_301 : i32
      %get3A_303 = arith.index_cast %add3A_302 : i32 to index
      %get3A_304 = tpu.vector_load %arg9[%get3A_303] {strides = array<i32>} : memref<10000xi32, #tpu.memory_space<vmem>>, vector<16xi32>,
      %get3A_305 = vector.shape_cast %get3A_304 : vector<16xi32> to vector<16xi32>
      %and3A_306 = arith.constant 65535 : i32
      %and3A_307 = vector.broadcast %and3A_306 : i32 to vector<16xi32>
      %and3A_308 = arith.andi %get3A_305, %and3A_307 : vector<16xi32>
      %swap3A_309 = arith.constant 0 : index
      %swap3A_310 = tpu.vector_load %arg10[%swap3A_309] {strides = array<i32>} : memref<80xi32, #tpu.memory_space<vmem>>, vector<16xi32>,
      %swap3A_311 = vector.shape_cast %swap3A_310 : vector<16xi32> to vector<16xi32>
      %swap3A_312 = vector.shape_cast %and3A_308 : vector<16xi32> to vector<16xi32>
      tpu.vector_store %arg10[%swap3A_309], %swap3A_312 {strides = array<i32>} : memref<80xi32, #tpu.memory_space<vmem>>, vector<16xi32>,
      %shift_right_logical3A_313 = arith.constant 16 : i32
      %shift_right_logical3A_314 = vector.broadcast %shift_right_logical3A_313 : i32 to vector<16xi32>
      %shift_right_logical3A_315 = arith.shrui %get3A_305, %shift_right_logical3A_314 : vector<16xi32>
      %swap3A_316 = arith.constant 0 : index
      %swap3A_317 = tpu.vector_load %arg11[%swap3A_316] {strides = array<i32>} : memref<80xi32, #tpu.memory_space<vmem>>, vector<16xi32>,
      %swap3A_318 = vector.shape_cast %swap3A_317 : vector<16xi32> to vector<16xi32>
      %swap3A_319 = vector.shape_cast %shift_right_logical3A_315 : vector<16xi32> to vector<16xi32>
      tpu.vector_store %arg11[%swap3A_316], %swap3A_319 {strides = array<i32>} : memref<80xi32, #tpu.memory_space<vmem>>, vector<16xi32>,
      %mul3A_320 = arith.constant 80 : i32
      %mul3A_321 = arith.muli %add3A_298, %mul3A_320 : i32
      %add3A_322 = arith.constant 16 : i32
      %add3A_323 = arith.addi %mul3A_321, %add3A_322 : i32
      %get3A_324 = arith.index_cast %add3A_323 : i32 to index
      %get3A_325 = tpu.vector_load %arg9[%get3A_324] {strides = array<i32>} : memref<10000xi32, #tpu.memory_space<vmem>>, vector<16xi32>,
      %get3A_326 = vector.shape_cast %get3A_325 : vector<16xi32> to vector<16xi32>
      %and3A_327 = arith.constant 65535 : i32
      %and3A_328 = vector.broadcast %and3A_327 : i32 to vector<16xi32>
      %and3A_329 = arith.andi %get3A_326, %and3A_328 : vector<16xi32>
      %swap3A_330 = arith.constant 16 : index
      %swap3A_331 = tpu.vector_load %arg10[%swap3A_330] {strides = array<i32>} : memref<80xi32, #tpu.memory_space<vmem>>, vector<16xi32>,
      %swap3A_332 = vector.shape_cast %swap3A_331 : vector<16xi32> to vector<16xi32>
      %swap3A_333 = vector.shape_cast %and3A_329 : vector<16xi32> to vector<16xi32>
      tpu.vector_store %arg10[%swap3A_330], %swap3A_333 {strides = array<i32>} : memref<80xi32, #tpu.memory_space<vmem>>, vector<16xi32>,
      %shift_right_logical3A_334 = arith.constant 16 : i32
      %shift_right_logical3A_335 = vector.broadcast %shift_right_logical3A_334 : i32 to vector<16xi32>
      %shift_right_logical3A_336 = arith.shrui %get3A_326, %shift_right_logical3A_335 : vector<16xi32>
      %swap3A_337 = arith.constant 16 : index
      %swap3A_338 = tpu.vector_load %arg11[%swap3A_337] {strides = array<i32>} : memref<80xi32, #tpu.memory_space<vmem>>, vector<16xi32>,
      %swap3A_339 = vector.shape_cast %swap3A_338 : vector<16xi32> to vector<16xi32>
      %swap3A_340 = vector.shape_cast %shift_right_logical3A_336 : vector<16xi32> to vector<16xi32>
      tpu.vector_store %arg11[%swap3A_337], %swap3A_340 {strides = array<i32>} : memref<80xi32, #tpu.memory_space<vmem>>, vector<16xi32>,
      %mul3A_341 = arith.constant 80 : i32
      %mul3A_342 = arith.muli %add3A_298, %mul3A_341 : i32
      %add3A_343 = arith.constant 32 : i32
      %add3A_344 = arith.addi %mul3A_342, %add3A_343 : i32
      %get3A_345 = arith.index_cast %add3A_344 : i32 to index
      %get3A_346 = tpu.vector_load %arg9[%get3A_345] {strides = array<i32>} : memref<10000xi32, #tpu.memory_space<vmem>>, vector<16xi32>,
      %get3A_347 = vector.shape_cast %get3A_346 : vector<16xi32> to vector<16xi32>
      %and3A_348 = arith.constant 65535 : i32
      %and3A_349 = vector.broadcast %and3A_348 : i32 to vector<16xi32>
      %and3A_350 = arith.andi %get3A_347, %and3A_349 : vector<16xi32>
      %swap3A_351 = arith.constant 32 : index
      %swap3A_352 = tpu.vector_load %arg10[%swap3A_351] {strides = array<i32>} : memref<80xi32, #tpu.memory_space<vmem>>, vector<16xi32>,
      %swap3A_353 = vector.shape_cast %swap3A_352 : vector<16xi32> to vector<16xi32>
      %swap3A_354 = vector.shape_cast %and3A_350 : vector<16xi32> to vector<16xi32>
      tpu.vector_store %arg10[%swap3A_351], %swap3A_354 {strides = array<i32>} : memref<80xi32, #tpu.memory_space<vmem>>, vector<16xi32>,
      %shift_right_logical3A_355 = arith.constant 16 : i32
      %shift_right_logical3A_356 = vector.broadcast %shift_right_logical3A_355 : i32 to vector<16xi32>
      %shift_right_logical3A_357 = arith.shrui %get3A_347, %shift_right_logical3A_356 : vector<16xi32>
      %swap3A_358 = arith.constant 32 : index
      %swap3A_359 = tpu.vector_load %arg11[%swap3A_358] {strides = array<i32>} : memref<80xi32, #tpu.memory_space<vmem>>, vector<16xi32>,
      %swap3A_360 = vector.shape_cast %swap3A_359 : vector<16xi32> to vector<16xi32>
      %swap3A_361 = vector.shape_cast %shift_right_logical3A_357 : vector<16xi32> to vector<16xi32>
      tpu.vector_store %arg11[%swap3A_358], %swap3A_361 {strides = array<i32>} : memref<80xi32, #tpu.memory_space<vmem>>, vector<16xi32>,
      %mul3A_362 = arith.constant 80 : i32
      %mul3A_363 = arith.muli %add3A_298, %mul3A_362 : i32
      %add3A_364 = arith.constant 48 : i32
      %add3A_365 = arith.addi %mul3A_363, %add3A_364 : i32
      %get3A_366 = arith.index_cast %add3A_365 : i32 to index
      %get3A_367 = tpu.vector_load %arg9[%get3A_366] {strides = array<i32>} : memref<10000xi32, #tpu.memory_space<vmem>>, vector<16xi32>,
      %get3A_368 = vector.shape_cast %get3A_367 : vector<16xi32> to vector<16xi32>
      %and3A_369 = arith.constant 65535 : i32
      %and3A_370 = vector.broadcast %and3A_369 : i32 to vector<16xi32>
      %and3A_371 = arith.andi %get3A_368, %and3A_370 : vector<16xi32>
      %swap3A_372 = arith.constant 48 : index
      %swap3A_373 = tpu.vector_load %arg10[%swap3A_372] {strides = array<i32>} : memref<80xi32, #tpu.memory_space<vmem>>, vector<16xi32>,
      %swap3A_374 = vector.shape_cast %swap3A_373 : vector<16xi32> to vector<16xi32>
      %swap3A_375 = vector.shape_cast %and3A_371 : vector<16xi32> to vector<16xi32>
      tpu.vector_store %arg10[%swap3A_372], %swap3A_375 {strides = array<i32>} : memref<80xi32, #tpu.memory_space<vmem>>, vector<16xi32>,
      %shift_right_logical3A_376 = arith.constant 16 : i32
      %shift_right_logical3A_377 = vector.broadcast %shift_right_logical3A_376 : i32 to vector<16xi32>
      %shift_right_logical3A_378 = arith.shrui %get3A_368, %shift_right_logical3A_377 : vector<16xi32>
      %swap3A_379 = arith.constant 48 : index
      %swap3A_380 = tpu.vector_load %arg11[%swap3A_379] {strides = array<i32>} : memref<80xi32, #tpu.memory_space<vmem>>, vector<16xi32>,
      %swap3A_381 = vector.shape_cast %swap3A_380 : vector<16xi32> to vector<16xi32>
      %swap3A_382 = vector.shape_cast %shift_right_logical3A_378 : vector<16xi32> to vector<16xi32>
      tpu.vector_store %arg11[%swap3A_379], %swap3A_382 {strides = array<i32>} : memref<80xi32, #tpu.memory_space<vmem>>, vector<16xi32>,
      %mul3A_383 = arith.constant 80 : i32
      %mul3A_384 = arith.muli %add3A_298, %mul3A_383 : i32
      %add3A_385 = arith.constant 64 : i32
      %add3A_386 = arith.addi %mul3A_384, %add3A_385 : i32
      %get3A_387 = arith.index_cast %add3A_386 : i32 to index
      %get3A_388 = tpu.vector_load %arg9[%get3A_387] {strides = array<i32>} : memref<10000xi32, #tpu.memory_space<vmem>>, vector<16xi32>,
      %get3A_389 = vector.shape_cast %get3A_388 : vector<16xi32> to vector<16xi32>
      %and3A_390 = arith.constant 65535 : i32
      %and3A_391 = vector.broadcast %and3A_390 : i32 to vector<16xi32>
      %and3A_392 = arith.andi %get3A_389, %and3A_391 : vector<16xi32>
      %swap3A_393 = arith.constant 64 : index
      %swap3A_394 = tpu.vector_load %arg10[%swap3A_393] {strides = array<i32>} : memref<80xi32, #tpu.memory_space<vmem>>, vector<16xi32>,
      %swap3A_395 = vector.shape_cast %swap3A_394 : vector<16xi32> to vector<16xi32>
      %swap3A_396 = vector.shape_cast %and3A_392 : vector<16xi32> to vector<16xi32>
      tpu.vector_store %arg10[%swap3A_393], %swap3A_396 {strides = array<i32>} : memref<80xi32, #tpu.memory_space<vmem>>, vector<16xi32>,
      %shift_right_logical3A_397 = arith.constant 16 : i32
      %shift_right_logical3A_398 = vector.broadcast %shift_right_logical3A_397 : i32 to vector<16xi32>
      %shift_right_logical3A_399 = arith.shrui %get3A_389, %shift_right_logical3A_398 : vector<16xi32>
      %swap3A_400 = arith.constant 64 : index
      %swap3A_401 = tpu.vector_load %arg11[%swap3A_400] {strides = array<i32>} : memref<80xi32, #tpu.memory_space<vmem>>, vector<16xi32>,
      %swap3A_402 = vector.shape_cast %swap3A_401 : vector<16xi32> to vector<16xi32>
      %swap3A_403 = vector.shape_cast %shift_right_logical3A_399 : vector<16xi32> to vector<16xi32>
      tpu.vector_store %arg11[%swap3A_400], %swap3A_403 {strides = array<i32>} : memref<80xi32, #tpu.memory_space<vmem>>, vector<16xi32>,
      %dma_start3A_404 = arith.constant 0 : i32
      %dma_start3A_405 = arith.constant 0 : i32
      %dma_start3A_406 = tpu.memref_slice %arg2[%dma_start3A_404, %dma_start3A_405] : memref<10008x128xf32, #tpu.memory_space<hbm>> -> memref<10008x128xf32, #tpu.memory_space<hbm>>
      tpu.enqueue_indirect_dma source(%dma_start3A_406 : memref<10008x128xf32, #tpu.memory_space<hbm>>) target(%arg15 : memref<80x128xf32, #tpu.memory_space<vmem>>) offsets(%arg10 : memref<80xi32, #tpu.memory_space<vmem>>) semaphore(%arg18 : memref<!tpu.dma_semaphore, #tpu.memory_space<semaphore_mem>>)
      %dma_wait3A_407 = arith.constant 0 : i32
      %dma_wait3A_408 = arith.constant 0 : i32
      %dma_wait3A_409 = tpu.memref_slice %arg2[%dma_wait3A_407, %dma_wait3A_408] : memref<10008x128xf32, #tpu.memory_space<hbm>> -> memref<10008x128xf32, #tpu.memory_space<hbm>>
      tpu.wait_indirect_dma semaphore(%arg19 : memref<!tpu.dma_semaphore, #tpu.memory_space<semaphore_mem>>) src(%dma_wait3A_409 : memref<10008x128xf32, #tpu.memory_space<hbm>>) dst(%arg16 : memref<80x128xf32, #tpu.memory_space<vmem>>)
      "tpu.region"() ({
        %run_scoped3A = tpu.sem_alloc : memref<!tpu.dma_semaphore, #tpu.memory_space<semaphore_mem>>
        %dma_start3A_410 = arith.constant 0 : i32
        %dma_start3A_411 = arith.constant 0 : i32
        %dma_start3A_412 = tpu.memref_slice %arg17[%dma_start3A_410, %dma_start3A_411] : memref<10112x128xf32, #tpu.memory_space<vmem_shared>> -> memref<10112x128xf32, #tpu.memory_space<vmem_shared>>
        tpu.enqueue_indirect_dma source(%arg16 : memref<80x128xf32, #tpu.memory_space<vmem>>) target(%dma_start3A_412 : memref<10112x128xf32, #tpu.memory_space<vmem_shared>>) offsets(%arg13 : memref<80xi32, #tpu.memory_space<vmem>>) semaphore(%run_scoped3A : memref<!tpu.dma_semaphore, #tpu.memory_space<semaphore_mem>>) {add = true}
        %dma_wait3A_413 = arith.constant 0 : i32
        %dma_wait3A_414 = arith.constant 0 : i32
        %dma_wait3A_415 = tpu.memref_slice %arg17[%dma_wait3A_413, %dma_wait3A_414] : memref<10112x128xf32, #tpu.memory_space<vmem_shared>> -> memref<10112x128xf32, #tpu.memory_space<vmem_shared>>
        tpu.wait_indirect_dma semaphore(%run_scoped3A : memref<!tpu.dma_semaphore, #tpu.memory_space<semaphore_mem>>) src(%arg16 : memref<80x128xf32, #tpu.memory_space<vmem>>) dst(%dma_wait3A_415 : memref<10112x128xf32, #tpu.memory_space<vmem_shared>>)
        tpu.yield
      }) : () -> ()
    }
    %scan3A_90 = arith.constant 62 : i32
    %dma_wait3A = arith.constant 0 : i32
    %dma_wait3A_91 = arith.constant 0 : i32
    %dma_wait3A_92 = tpu.memref_slice %arg2[%dma_wait3A, %dma_wait3A_91] : memref<10008x128xf32, #tpu.memory_space<hbm>> -> memref<10008x128xf32, #tpu.memory_space<hbm>>
    tpu.wait_indirect_dma semaphore(%arg18 : memref<!tpu.dma_semaphore, #tpu.memory_space<semaphore_mem>>) src(%dma_wait3A_92 : memref<10008x128xf32, #tpu.memory_space<hbm>>) dst(%arg15 : memref<80x128xf32, #tpu.memory_space<vmem>>)
    "tpu.region"() ({
      %run_scoped3A = tpu.sem_alloc : memref<!tpu.dma_semaphore, #tpu.memory_space<semaphore_mem>>
      %dma_start3A_181 = arith.constant 0 : i32
      %dma_start3A_182 = arith.constant 0 : i32
      %dma_start3A_183 = tpu.memref_slice %arg17[%dma_start3A_181, %dma_start3A_182] : memref<10112x128xf32, #tpu.memory_space<vmem_shared>> -> memref<10112x128xf32, #tpu.memory_space<vmem_shared>>
      tpu.enqueue_indirect_dma source(%arg15 : memref<80x128xf32, #tpu.memory_space<vmem>>) target(%dma_start3A_183 : memref<10112x128xf32, #tpu.memory_space<vmem_shared>>) offsets(%arg11 : memref<80xi32, #tpu.memory_space<vmem>>) semaphore(%run_scoped3A : memref<!tpu.dma_semaphore, #tpu.memory_space<semaphore_mem>>) {add = true}
      %dma_wait3A_184 = arith.constant 0 : i32
      %dma_wait3A_185 = arith.constant 0 : i32
      %dma_wait3A_186 = tpu.memref_slice %arg17[%dma_wait3A_184, %dma_wait3A_185] : memref<10112x128xf32, #tpu.memory_space<vmem_shared>> -> memref<10112x128xf32, #tpu.memory_space<vmem_shared>>
      tpu.wait_indirect_dma semaphore(%run_scoped3A : memref<!tpu.dma_semaphore, #tpu.memory_space<semaphore_mem>>) src(%arg15 : memref<80x128xf32, #tpu.memory_space<vmem>>) dst(%dma_wait3A_186 : memref<10112x128xf32, #tpu.memory_space<vmem_shared>>)
      tpu.yield
    }) : () -> ()
    %barrier3A_93 = arith.constant 0 : index
    tpu.barrier barrier_id(%barrier3A_93)
    "tpu.region"() ({
      %run_scoped3A = tpu.sem_alloc : memref<!tpu.dma_semaphore, #tpu.memory_space<semaphore_mem>>
      %dma_start3A_181 = arith.constant 0 : i32
      %dma_start3A_182 = tpu.memref_slice %arg7[%arg0, %mul3A_2, %dma_start3A_181] : memref<2x10112x128xf32, #tpu.memory_space<hbm>> -> memref<1x632x128xf32, #tpu.memory_space<hbm>>
      %dma_start3A_183 = tpu.memref_squeeze %dma_start3A_182 : memref<1x632x128xf32, #tpu.memory_space<hbm>> -> memref<632x128xf32, #tpu.memory_space<hbm>>
      %dma_start3A_184 = arith.constant 0 : i32
      %dma_start3A_185 = tpu.memref_slice %arg17[%mul3A_2, %dma_start3A_184] : memref<10112x128xf32, #tpu.memory_space<vmem_shared>> -> memref<632x128xf32, #tpu.memory_space<vmem_shared>>
      tpu.enqueue_dma source(%dma_start3A_185 : memref<632x128xf32, #tpu.memory_space<vmem_shared>>) target(%dma_start3A_183 : memref<632x128xf32, #tpu.memory_space<hbm>>) target_semaphore(%run_scoped3A : memref<!tpu.dma_semaphore, #tpu.memory_space<semaphore_mem>>)
      %dma_wait3A_186 = arith.constant 0 : i32
      %dma_wait3A_187 = tpu.memref_slice %arg7[%arg0, %mul3A_2, %dma_wait3A_186] : memref<2x10112x128xf32, #tpu.memory_space<hbm>> -> memref<1x632x128xf32, #tpu.memory_space<hbm>>
      %dma_wait3A_188 = tpu.memref_squeeze %dma_wait3A_187 : memref<1x632x128xf32, #tpu.memory_space<hbm>> -> memref<632x128xf32, #tpu.memory_space<hbm>>
      %dma_wait3A_189 = arith.constant 0 : i32
      %dma_wait3A_190 = tpu.memref_slice %arg17[%mul3A_2, %dma_wait3A_189] : memref<10112x128xf32, #tpu.memory_space<vmem_shared>> -> memref<632x128xf32, #tpu.memory_space<vmem_shared>>
      tpu.wait_dma2 semaphore(%run_scoped3A : memref<!tpu.dma_semaphore, #tpu.memory_space<semaphore_mem>>) src(%dma_wait3A_190 : memref<632x128xf32, #tpu.memory_space<vmem_shared>>) dst(%dma_wait3A_188 : memref<632x128xf32, #tpu.memory_space<hbm>>)
      tpu.yield
    }) : () -> ()
    %mul3A_94 = arith.constant 80 : i32
    %mul3A_95 = arith.muli %add3A, %mul3A_94 : i32
    %multiple_of3A = tpu.assume_multiple %mul3A_95, 8 : i32
    "tpu.region"() ({
      %run_scoped3A = tpu.sem_alloc : memref<!tpu.dma_semaphore, #tpu.memory_space<semaphore_mem>>
      %dma_start3A_181 = tpu.memref_slice %arg5[%multiple_of3A] : memref<50000xi32, #tpu.memory_space<hbm>> -> memref<80xi32, #tpu.memory_space<hbm>>
      %dma_start3A_182 = tpu.memref_slice %arg5[%multiple_of3A] : memref<50000xi32, #tpu.memory_space<hbm>> -> memref<80xi32, #tpu.memory_space<hbm>>
      tpu.enqueue_dma source(%dma_start3A_182 : memref<80xi32, #tpu.memory_space<hbm>>) target(%arg10 : memref<80xi32, #tpu.memory_space<vmem>>) target_semaphore(%run_scoped3A : memref<!tpu.dma_semaphore, #tpu.memory_space<semaphore_mem>>)
      %dma_wait3A_183 = tpu.memref_slice %arg5[%multiple_of3A] : memref<50000xi32, #tpu.memory_space<hbm>> -> memref<80xi32, #tpu.memory_space<hbm>>
      %dma_wait3A_184 = tpu.memref_slice %arg5[%multiple_of3A] : memref<50000xi32, #tpu.memory_space<hbm>> -> memref<80xi32, #tpu.memory_space<hbm>>
      tpu.wait_dma2 semaphore(%run_scoped3A : memref<!tpu.dma_semaphore, #tpu.memory_space<semaphore_mem>>) src(%dma_wait3A_184 : memref<80xi32, #tpu.memory_space<hbm>>) dst(%arg10 : memref<80xi32, #tpu.memory_space<vmem>>)
      tpu.yield
    }) : () -> ()
    "tpu.region"() ({
      %run_scoped3A = tpu.sem_alloc : memref<!tpu.dma_semaphore, #tpu.memory_space<semaphore_mem>>
      %dma_start3A_181 = tpu.memref_slice %arg6[%multiple_of3A] : memref<50000xf32, #tpu.memory_space<hbm>> -> memref<80xf32, #tpu.memory_space<hbm>>
      %dma_start3A_182 = tpu.memref_slice %arg6[%multiple_of3A] : memref<50000xf32, #tpu.memory_space<hbm>> -> memref<80xf32, #tpu.memory_space<hbm>>
      tpu.enqueue_dma source(%dma_start3A_182 : memref<80xf32, #tpu.memory_space<hbm>>) target(%arg14 : memref<80xf32, #tpu.memory_space<vmem>>) target_semaphore(%run_scoped3A : memref<!tpu.dma_semaphore, #tpu.memory_space<semaphore_mem>>)
      %dma_wait3A_183 = tpu.memref_slice %arg6[%multiple_of3A] : memref<50000xf32, #tpu.memory_space<hbm>> -> memref<80xf32, #tpu.memory_space<hbm>>
      %dma_wait3A_184 = tpu.memref_slice %arg6[%multiple_of3A] : memref<50000xf32, #tpu.memory_space<hbm>> -> memref<80xf32, #tpu.memory_space<hbm>>
      tpu.wait_dma2 semaphore(%run_scoped3A : memref<!tpu.dma_semaphore, #tpu.memory_space<semaphore_mem>>) src(%dma_wait3A_184 : memref<80xf32, #tpu.memory_space<hbm>>) dst(%arg14 : memref<80xf32, #tpu.memory_space<vmem>>)
      tpu.yield
    }) : () -> ()
    %get3A_96 = arith.constant 0 : index
    %get3A_97 = tpu.vector_load %arg14[%get3A_96] {strides = array<i32>} : memref<80xf32, #tpu.memory_space<vmem>>, vector<16xf32>,
    %get3A_98 = vector.shape_cast %get3A_97 : vector<16xf32> to vector<16xf32>
    %gt3A = arith.constant 0.000000e+00 : f32
    %gt3A_99 = vector.broadcast %gt3A : f32 to vector<16xf32>
    %gt3A_100 = arith.cmpf ogt, %get3A_98, %gt3A_99 : vector<16xf32>
    %get3A_101 = arith.constant 0 : index
    %get3A_102 = tpu.vector_load %arg10[%get3A_101] {strides = array<i32>} : memref<80xi32, #tpu.memory_space<vmem>>, vector<16xi32>,
    %get3A_103 = vector.shape_cast %get3A_102 : vector<16xi32> to vector<16xi32>
    %jit3A = arith.constant 10000 : i32
    %broadcast_in_dim3A = vector.broadcast %jit3A : i32 to vector<16xi32>
    %select_n3A = arith.select %gt3A_100, %get3A_103, %broadcast_in_dim3A : vector<16xi1>, vector<16xi32>
    %swap3A_104 = arith.constant 0 : index
    %swap3A_105 = tpu.vector_load %arg10[%swap3A_104] {strides = array<i32>} : memref<80xi32, #tpu.memory_space<vmem>>, vector<16xi32>,
    %swap3A_106 = vector.shape_cast %swap3A_105 : vector<16xi32> to vector<16xi32>
    %swap3A_107 = vector.shape_cast %select_n3A : vector<16xi32> to vector<16xi32>
    tpu.vector_store %arg10[%swap3A_104], %swap3A_107 {strides = array<i32>} : memref<80xi32, #tpu.memory_space<vmem>>, vector<16xi32>,
    %get3A_108 = arith.constant 16 : index
    %get3A_109 = tpu.vector_load %arg14[%get3A_108] {strides = array<i32>} : memref<80xf32, #tpu.memory_space<vmem>>, vector<16xf32>,
    %get3A_110 = vector.shape_cast %get3A_109 : vector<16xf32> to vector<16xf32>
    %gt3A_111 = arith.constant 0.000000e+00 : f32
    %gt3A_112 = vector.broadcast %gt3A_111 : f32 to vector<16xf32>
    %gt3A_113 = arith.cmpf ogt, %get3A_110, %gt3A_112 : vector<16xf32>
    %get3A_114 = arith.constant 16 : index
    %get3A_115 = tpu.vector_load %arg10[%get3A_114] {strides = array<i32>} : memref<80xi32, #tpu.memory_space<vmem>>, vector<16xi32>,
    %get3A_116 = vector.shape_cast %get3A_115 : vector<16xi32> to vector<16xi32>
    %jit3A_117 = arith.constant 10000 : i32
    %broadcast_in_dim3A_118 = vector.broadcast %jit3A_117 : i32 to vector<16xi32>
    %select_n3A_119 = arith.select %gt3A_113, %get3A_116, %broadcast_in_dim3A_118 : vector<16xi1>, vector<16xi32>
    %swap3A_120 = arith.constant 16 : index
    %swap3A_121 = tpu.vector_load %arg10[%swap3A_120] {strides = array<i32>} : memref<80xi32, #tpu.memory_space<vmem>>, vector<16xi32>,
    %swap3A_122 = vector.shape_cast %swap3A_121 : vector<16xi32> to vector<16xi32>
    %swap3A_123 = vector.shape_cast %select_n3A_119 : vector<16xi32> to vector<16xi32>
    tpu.vector_store %arg10[%swap3A_120], %swap3A_123 {strides = array<i32>} : memref<80xi32, #tpu.memory_space<vmem>>, vector<16xi32>,
    %get3A_124 = arith.constant 32 : index
    %get3A_125 = tpu.vector_load %arg14[%get3A_124] {strides = array<i32>} : memref<80xf32, #tpu.memory_space<vmem>>, vector<16xf32>,
    %get3A_126 = vector.shape_cast %get3A_125 : vector<16xf32> to vector<16xf32>
    %gt3A_127 = arith.constant 0.000000e+00 : f32
    %gt3A_128 = vector.broadcast %gt3A_127 : f32 to vector<16xf32>
    %gt3A_129 = arith.cmpf ogt, %get3A_126, %gt3A_128 : vector<16xf32>
    %get3A_130 = arith.constant 32 : index
    %get3A_131 = tpu.vector_load %arg10[%get3A_130] {strides = array<i32>} : memref<80xi32, #tpu.memory_space<vmem>>, vector<16xi32>,
    %get3A_132 = vector.shape_cast %get3A_131 : vector<16xi32> to vector<16xi32>
    %jit3A_133 = arith.constant 10000 : i32
    %broadcast_in_dim3A_134 = vector.broadcast %jit3A_133 : i32 to vector<16xi32>
    %select_n3A_135 = arith.select %gt3A_129, %get3A_132, %broadcast_in_dim3A_134 : vector<16xi1>, vector<16xi32>
    %swap3A_136 = arith.constant 32 : index
    %swap3A_137 = tpu.vector_load %arg10[%swap3A_136] {strides = array<i32>} : memref<80xi32, #tpu.memory_space<vmem>>, vector<16xi32>,
    %swap3A_138 = vector.shape_cast %swap3A_137 : vector<16xi32> to vector<16xi32>
    %swap3A_139 = vector.shape_cast %select_n3A_135 : vector<16xi32> to vector<16xi32>
    tpu.vector_store %arg10[%swap3A_136], %swap3A_139 {strides = array<i32>} : memref<80xi32, #tpu.memory_space<vmem>>, vector<16xi32>,
    %get3A_140 = arith.constant 48 : index
    %get3A_141 = tpu.vector_load %arg14[%get3A_140] {strides = array<i32>} : memref<80xf32, #tpu.memory_space<vmem>>, vector<16xf32>,
    %get3A_142 = vector.shape_cast %get3A_141 : vector<16xf32> to vector<16xf32>
    %gt3A_143 = arith.constant 0.000000e+00 : f32
    %gt3A_144 = vector.broadcast %gt3A_143 : f32 to vector<16xf32>
    %gt3A_145 = arith.cmpf ogt, %get3A_142, %gt3A_144 : vector<16xf32>
    %get3A_146 = arith.constant 48 : index
    %get3A_147 = tpu.vector_load %arg10[%get3A_146] {strides = array<i32>} : memref<80xi32, #tpu.memory_space<vmem>>, vector<16xi32>,
    %get3A_148 = vector.shape_cast %get3A_147 : vector<16xi32> to vector<16xi32>
    %jit3A_149 = arith.constant 10000 : i32
    %broadcast_in_dim3A_150 = vector.broadcast %jit3A_149 : i32 to vector<16xi32>
    %select_n3A_151 = arith.select %gt3A_145, %get3A_148, %broadcast_in_dim3A_150 : vector<16xi1>, vector<16xi32>
    %swap3A_152 = arith.constant 48 : index
    %swap3A_153 = tpu.vector_load %arg10[%swap3A_152] {strides = array<i32>} : memref<80xi32, #tpu.memory_space<vmem>>, vector<16xi32>,
    %swap3A_154 = vector.shape_cast %swap3A_153 : vector<16xi32> to vector<16xi32>
    %swap3A_155 = vector.shape_cast %select_n3A_151 : vector<16xi32> to vector<16xi32>
    tpu.vector_store %arg10[%swap3A_152], %swap3A_155 {strides = array<i32>} : memref<80xi32, #tpu.memory_space<vmem>>, vector<16xi32>,
    %get3A_156 = arith.constant 64 : index
    %get3A_157 = tpu.vector_load %arg14[%get3A_156] {strides = array<i32>} : memref<80xf32, #tpu.memory_space<vmem>>, vector<16xf32>,
    %get3A_158 = vector.shape_cast %get3A_157 : vector<16xf32> to vector<16xf32>
    %gt3A_159 = arith.constant 0.000000e+00 : f32
    %gt3A_160 = vector.broadcast %gt3A_159 : f32 to vector<16xf32>
    %gt3A_161 = arith.cmpf ogt, %get3A_158, %gt3A_160 : vector<16xf32>
    %get3A_162 = arith.constant 64 : index
    %get3A_163 = tpu.vector_load %arg10[%get3A_162] {strides = array<i32>} : memref<80xi32, #tpu.memory_space<vmem>>, vector<16xi32>,
    %get3A_164 = vector.shape_cast %get3A_163 : vector<16xi32> to vector<16xi32>
    %jit3A_165 = arith.constant 10000 : i32
    %broadcast_in_dim3A_166 = vector.broadcast %jit3A_165 : i32 to vector<16xi32>
    %select_n3A_167 = arith.select %gt3A_161, %get3A_164, %broadcast_in_dim3A_166 : vector<16xi1>, vector<16xi32>
    %swap3A_168 = arith.constant 64 : index
    %swap3A_169 = tpu.vector_load %arg10[%swap3A_168] {strides = array<i32>} : memref<80xi32, #tpu.memory_space<vmem>>, vector<16xi32>,
    %swap3A_170 = vector.shape_cast %swap3A_169 : vector<16xi32> to vector<16xi32>
    %swap3A_171 = vector.shape_cast %select_n3A_167 : vector<16xi32> to vector<16xi32>
    tpu.vector_store %arg10[%swap3A_168], %swap3A_171 {strides = array<i32>} : memref<80xi32, #tpu.memory_space<vmem>>, vector<16xi32>,
    %dma_start3A_172 = arith.constant 0 : i32
    %dma_start3A_173 = arith.constant 0 : i32
    %dma_start3A_174 = tpu.memref_slice %arg2[%dma_start3A_172, %dma_start3A_173] : memref<10008x128xf32, #tpu.memory_space<hbm>> -> memref<10008x128xf32, #tpu.memory_space<hbm>>
    tpu.enqueue_indirect_dma source(%dma_start3A_174 : memref<10008x128xf32, #tpu.memory_space<hbm>>) target(%arg15 : memref<80x128xf32, #tpu.memory_space<vmem>>) offsets(%arg10 : memref<80xi32, #tpu.memory_space<vmem>>) semaphore(%arg18 : memref<!tpu.dma_semaphore, #tpu.memory_space<semaphore_mem>>)
    %scan3A_175 = arith.constant 0 : i32
    %scan3A_176 = arith.constant 0 : i32
    %scan3A_177 = arith.constant 10 : i32
    %scan3A_178 = arith.addi %scan3A_176, %scan3A_177 : i32
    %scan3A_179 = arith.constant 1 : i32
    scf.for %scan3A_181 = %scan3A_176 to %scan3A_178 step %scan3A_179  : i32 {
      %mul3A_182 = arith.constant 64 : i32
      %mul3A_183 = arith.muli %mul3A_182, %scan3A_181 : i32
      %add3A_184 = arith.addi %add3A, %mul3A_183 : i32
      %add3A_185 = arith.constant 32 : i32
      %add3A_186 = arith.addi %add3A_184, %add3A_185 : i32
      %add3A_187 = arith.constant 32 : i32
      %add3A_188 = arith.addi %add3A_186, %add3A_187 : i32
      %lt3A = arith.constant 625 : i32
      %lt3A_189 = arith.cmpi slt, %add3A_186, %lt3A : i32
      %convert_element_type3A = arith.extui %lt3A_189 : i1 to i32
      %cond3A = arith.constant 0 : i32
      %cond3A_190 = arith.cmpi ne, %convert_element_type3A, %cond3A : i32
      scf.if %cond3A_190 {
        %mul3A_206 = arith.constant 80 : i32
        %mul3A_207 = arith.muli %add3A_186, %mul3A_206 : i32
        %multiple_of3A_208 = tpu.assume_multiple %mul3A_207, 8 : i32
        "tpu.region"() ({
          %run_scoped3A = tpu.sem_alloc : memref<!tpu.dma_semaphore, #tpu.memory_space<semaphore_mem>>
          %dma_start3A_292 = tpu.memref_slice %arg5[%multiple_of3A_208] : memref<50000xi32, #tpu.memory_space<hbm>> -> memref<80xi32, #tpu.memory_space<hbm>>
          %dma_start3A_293 = tpu.memref_slice %arg5[%multiple_of3A_208] : memref<50000xi32, #tpu.memory_space<hbm>> -> memref<80xi32, #tpu.memory_space<hbm>>
          tpu.enqueue_dma source(%dma_start3A_293 : memref<80xi32, #tpu.memory_space<hbm>>) target(%arg12 : memref<80xi32, #tpu.memory_space<vmem>>) target_semaphore(%run_scoped3A : memref<!tpu.dma_semaphore, #tpu.memory_space<semaphore_mem>>)
          %dma_wait3A_294 = tpu.memref_slice %arg5[%multiple_of3A_208] : memref<50000xi32, #tpu.memory_space<hbm>> -> memref<80xi32, #tpu.memory_space<hbm>>
          %dma_wait3A_295 = tpu.memref_slice %arg5[%multiple_of3A_208] : memref<50000xi32, #tpu.memory_space<hbm>> -> memref<80xi32, #tpu.memory_space<hbm>>
          tpu.wait_dma2 semaphore(%run_scoped3A : memref<!tpu.dma_semaphore, #tpu.memory_space<semaphore_mem>>) src(%dma_wait3A_295 : memref<80xi32, #tpu.memory_space<hbm>>) dst(%arg12 : memref<80xi32, #tpu.memory_space<vmem>>)
          tpu.yield
        }) : () -> ()
        "tpu.region"() ({
          %run_scoped3A = tpu.sem_alloc : memref<!tpu.dma_semaphore, #tpu.memory_space<semaphore_mem>>
          %dma_start3A_292 = tpu.memref_slice %arg6[%multiple_of3A_208] : memref<50000xf32, #tpu.memory_space<hbm>> -> memref<80xf32, #tpu.memory_space<hbm>>
          %dma_start3A_293 = tpu.memref_slice %arg6[%multiple_of3A_208] : memref<50000xf32, #tpu.memory_space<hbm>> -> memref<80xf32, #tpu.memory_space<hbm>>
          tpu.enqueue_dma source(%dma_start3A_293 : memref<80xf32, #tpu.memory_space<hbm>>) target(%arg14 : memref<80xf32, #tpu.memory_space<vmem>>) target_semaphore(%run_scoped3A : memref<!tpu.dma_semaphore, #tpu.memory_space<semaphore_mem>>)
          %dma_wait3A_294 = tpu.memref_slice %arg6[%multiple_of3A_208] : memref<50000xf32, #tpu.memory_space<hbm>> -> memref<80xf32, #tpu.memory_space<hbm>>
          %dma_wait3A_295 = tpu.memref_slice %arg6[%multiple_of3A_208] : memref<50000xf32, #tpu.memory_space<hbm>> -> memref<80xf32, #tpu.memory_space<hbm>>
          tpu.wait_dma2 semaphore(%run_scoped3A : memref<!tpu.dma_semaphore, #tpu.memory_space<semaphore_mem>>) src(%dma_wait3A_295 : memref<80xf32, #tpu.memory_space<hbm>>) dst(%arg14 : memref<80xf32, #tpu.memory_space<vmem>>)
          tpu.yield
        }) : () -> ()
        %get3A_209 = arith.constant 0 : index
        %get3A_210 = tpu.vector_load %arg14[%get3A_209] {strides = array<i32>} : memref<80xf32, #tpu.memory_space<vmem>>, vector<16xf32>,
        %get3A_211 = vector.shape_cast %get3A_210 : vector<16xf32> to vector<16xf32>
        %gt3A_212 = arith.constant 0.000000e+00 : f32
        %gt3A_213 = vector.broadcast %gt3A_212 : f32 to vector<16xf32>
        %gt3A_214 = arith.cmpf ogt, %get3A_211, %gt3A_213 : vector<16xf32>
        %get3A_215 = arith.constant 0 : index
        %get3A_216 = tpu.vector_load %arg12[%get3A_215] {strides = array<i32>} : memref<80xi32, #tpu.memory_space<vmem>>, vector<16xi32>,
        %get3A_217 = vector.shape_cast %get3A_216 : vector<16xi32> to vector<16xi32>
        %jit3A_218 = arith.constant 10000 : i32
        %broadcast_in_dim3A_219 = vector.broadcast %jit3A_218 : i32 to vector<16xi32>
        %select_n3A_220 = arith.select %gt3A_214, %get3A_217, %broadcast_in_dim3A_219 : vector<16xi1>, vector<16xi32>
        %swap3A_221 = arith.constant 0 : index
        %swap3A_222 = tpu.vector_load %arg12[%swap3A_221] {strides = array<i32>} : memref<80xi32, #tpu.memory_space<vmem>>, vector<16xi32>,
        %swap3A_223 = vector.shape_cast %swap3A_222 : vector<16xi32> to vector<16xi32>
        %swap3A_224 = vector.shape_cast %select_n3A_220 : vector<16xi32> to vector<16xi32>
        tpu.vector_store %arg12[%swap3A_221], %swap3A_224 {strides = array<i32>} : memref<80xi32, #tpu.memory_space<vmem>>, vector<16xi32>,
        %get3A_225 = arith.constant 16 : index
        %get3A_226 = tpu.vector_load %arg14[%get3A_225] {strides = array<i32>} : memref<80xf32, #tpu.memory_space<vmem>>, vector<16xf32>,
        %get3A_227 = vector.shape_cast %get3A_226 : vector<16xf32> to vector<16xf32>
        %gt3A_228 = arith.constant 0.000000e+00 : f32
        %gt3A_229 = vector.broadcast %gt3A_228 : f32 to vector<16xf32>
        %gt3A_230 = arith.cmpf ogt, %get3A_227, %gt3A_229 : vector<16xf32>
        %get3A_231 = arith.constant 16 : index
        %get3A_232 = tpu.vector_load %arg12[%get3A_231] {strides = array<i32>} : memref<80xi32, #tpu.memory_space<vmem>>, vector<16xi32>,
        %get3A_233 = vector.shape_cast %get3A_232 : vector<16xi32> to vector<16xi32>
        %jit3A_234 = arith.constant 10000 : i32
        %broadcast_in_dim3A_235 = vector.broadcast %jit3A_234 : i32 to vector<16xi32>
        %select_n3A_236 = arith.select %gt3A_230, %get3A_233, %broadcast_in_dim3A_235 : vector<16xi1>, vector<16xi32>
        %swap3A_237 = arith.constant 16 : index
        %swap3A_238 = tpu.vector_load %arg12[%swap3A_237] {strides = array<i32>} : memref<80xi32, #tpu.memory_space<vmem>>, vector<16xi32>,
        %swap3A_239 = vector.shape_cast %swap3A_238 : vector<16xi32> to vector<16xi32>
        %swap3A_240 = vector.shape_cast %select_n3A_236 : vector<16xi32> to vector<16xi32>
        tpu.vector_store %arg12[%swap3A_237], %swap3A_240 {strides = array<i32>} : memref<80xi32, #tpu.memory_space<vmem>>, vector<16xi32>,
        %get3A_241 = arith.constant 32 : index
        %get3A_242 = tpu.vector_load %arg14[%get3A_241] {strides = array<i32>} : memref<80xf32, #tpu.memory_space<vmem>>, vector<16xf32>,
        %get3A_243 = vector.shape_cast %get3A_242 : vector<16xf32> to vector<16xf32>
        %gt3A_244 = arith.constant 0.000000e+00 : f32
        %gt3A_245 = vector.broadcast %gt3A_244 : f32 to vector<16xf32>
        %gt3A_246 = arith.cmpf ogt, %get3A_243, %gt3A_245 : vector<16xf32>
        %get3A_247 = arith.constant 32 : index
        %get3A_248 = tpu.vector_load %arg12[%get3A_247] {strides = array<i32>} : memref<80xi32, #tpu.memory_space<vmem>>, vector<16xi32>,
        %get3A_249 = vector.shape_cast %get3A_248 : vector<16xi32> to vector<16xi32>
        %jit3A_250 = arith.constant 10000 : i32
        %broadcast_in_dim3A_251 = vector.broadcast %jit3A_250 : i32 to vector<16xi32>
        %select_n3A_252 = arith.select %gt3A_246, %get3A_249, %broadcast_in_dim3A_251 : vector<16xi1>, vector<16xi32>
        %swap3A_253 = arith.constant 32 : index
        %swap3A_254 = tpu.vector_load %arg12[%swap3A_253] {strides = array<i32>} : memref<80xi32, #tpu.memory_space<vmem>>, vector<16xi32>,
        %swap3A_255 = vector.shape_cast %swap3A_254 : vector<16xi32> to vector<16xi32>
        %swap3A_256 = vector.shape_cast %select_n3A_252 : vector<16xi32> to vector<16xi32>
        tpu.vector_store %arg12[%swap3A_253], %swap3A_256 {strides = array<i32>} : memref<80xi32, #tpu.memory_space<vmem>>, vector<16xi32>,
        %get3A_257 = arith.constant 48 : index
        %get3A_258 = tpu.vector_load %arg14[%get3A_257] {strides = array<i32>} : memref<80xf32, #tpu.memory_space<vmem>>, vector<16xf32>,
        %get3A_259 = vector.shape_cast %get3A_258 : vector<16xf32> to vector<16xf32>
        %gt3A_260 = arith.constant 0.000000e+00 : f32
        %gt3A_261 = vector.broadcast %gt3A_260 : f32 to vector<16xf32>
        %gt3A_262 = arith.cmpf ogt, %get3A_259, %gt3A_261 : vector<16xf32>
        %get3A_263 = arith.constant 48 : index
        %get3A_264 = tpu.vector_load %arg12[%get3A_263] {strides = array<i32>} : memref<80xi32, #tpu.memory_space<vmem>>, vector<16xi32>,
        %get3A_265 = vector.shape_cast %get3A_264 : vector<16xi32> to vector<16xi32>
        %jit3A_266 = arith.constant 10000 : i32
        %broadcast_in_dim3A_267 = vector.broadcast %jit3A_266 : i32 to vector<16xi32>
        %select_n3A_268 = arith.select %gt3A_262, %get3A_265, %broadcast_in_dim3A_267 : vector<16xi1>, vector<16xi32>
        %swap3A_269 = arith.constant 48 : index
        %swap3A_270 = tpu.vector_load %arg12[%swap3A_269] {strides = array<i32>} : memref<80xi32, #tpu.memory_space<vmem>>, vector<16xi32>,
        %swap3A_271 = vector.shape_cast %swap3A_270 : vector<16xi32> to vector<16xi32>
        %swap3A_272 = vector.shape_cast %select_n3A_268 : vector<16xi32> to vector<16xi32>
        tpu.vector_store %arg12[%swap3A_269], %swap3A_272 {strides = array<i32>} : memref<80xi32, #tpu.memory_space<vmem>>, vector<16xi32>,
        %get3A_273 = arith.constant 64 : index
        %get3A_274 = tpu.vector_load %arg14[%get3A_273] {strides = array<i32>} : memref<80xf32, #tpu.memory_space<vmem>>, vector<16xf32>,
        %get3A_275 = vector.shape_cast %get3A_274 : vector<16xf32> to vector<16xf32>
        %gt3A_276 = arith.constant 0.000000e+00 : f32
        %gt3A_277 = vector.broadcast %gt3A_276 : f32 to vector<16xf32>
        %gt3A_278 = arith.cmpf ogt, %get3A_275, %gt3A_277 : vector<16xf32>
        %get3A_279 = arith.constant 64 : index
        %get3A_280 = tpu.vector_load %arg12[%get3A_279] {strides = array<i32>} : memref<80xi32, #tpu.memory_space<vmem>>, vector<16xi32>,
        %get3A_281 = vector.shape_cast %get3A_280 : vector<16xi32> to vector<16xi32>
        %jit3A_282 = arith.constant 10000 : i32
        %broadcast_in_dim3A_283 = vector.broadcast %jit3A_282 : i32 to vector<16xi32>
        %select_n3A_284 = arith.select %gt3A_278, %get3A_281, %broadcast_in_dim3A_283 : vector<16xi1>, vector<16xi32>
        %swap3A_285 = arith.constant 64 : index
        %swap3A_286 = tpu.vector_load %arg12[%swap3A_285] {strides = array<i32>} : memref<80xi32, #tpu.memory_space<vmem>>, vector<16xi32>,
        %swap3A_287 = vector.shape_cast %swap3A_286 : vector<16xi32> to vector<16xi32>
        %swap3A_288 = vector.shape_cast %select_n3A_284 : vector<16xi32> to vector<16xi32>
        tpu.vector_store %arg12[%swap3A_285], %swap3A_288 {strides = array<i32>} : memref<80xi32, #tpu.memory_space<vmem>>, vector<16xi32>,
        %dma_start3A_289 = arith.constant 0 : i32
        %dma_start3A_290 = arith.constant 0 : i32
        %dma_start3A_291 = tpu.memref_slice %arg2[%dma_start3A_289, %dma_start3A_290] : memref<10008x128xf32, #tpu.memory_space<hbm>> -> memref<10008x128xf32, #tpu.memory_space<hbm>>
        tpu.enqueue_indirect_dma source(%dma_start3A_291 : memref<10008x128xf32, #tpu.memory_space<hbm>>) target(%arg16 : memref<80x128xf32, #tpu.memory_space<vmem>>) offsets(%arg12 : memref<80xi32, #tpu.memory_space<vmem>>) semaphore(%arg19 : memref<!tpu.dma_semaphore, #tpu.memory_space<semaphore_mem>>)
      } else {
      }
      %lt3A_191 = arith.constant 625 : i32
      %lt3A_192 = arith.cmpi slt, %add3A_184, %lt3A_191 : i32
      %convert_element_type3A_193 = arith.extui %lt3A_192 : i1 to i32
      %cond3A_194 = arith.constant 0 : i32
      %cond3A_195 = arith.cmpi ne, %convert_element_type3A_193, %cond3A_194 : i32
      scf.if %cond3A_195 {
        %dma_wait3A_206 = arith.constant 0 : i32
        %dma_wait3A_207 = arith.constant 0 : i32
        %dma_wait3A_208 = tpu.memref_slice %arg2[%dma_wait3A_206, %dma_wait3A_207] : memref<10008x128xf32, #tpu.memory_space<hbm>> -> memref<10008x128xf32, #tpu.memory_space<hbm>>
        tpu.wait_indirect_dma semaphore(%arg18 : memref<!tpu.dma_semaphore, #tpu.memory_space<semaphore_mem>>) src(%dma_wait3A_208 : memref<10008x128xf32, #tpu.memory_space<hbm>>) dst(%arg15 : memref<80x128xf32, #tpu.memory_space<vmem>>)
        %mul3A_209 = arith.constant 80 : i32
        %mul3A_210 = arith.muli %add3A_184, %mul3A_209 : i32
        %multiple_of3A_211 = tpu.assume_multiple %mul3A_210, 8 : i32
        "tpu.region"() ({
          %run_scoped3A = tpu.sem_alloc : memref<!tpu.dma_semaphore, #tpu.memory_space<semaphore_mem>>
          %dma_start3A_212 = arith.constant 0 : i32
          %dma_start3A_213 = tpu.memref_slice %arg8[%multiple_of3A_211, %dma_start3A_212] : memref<50000x128xf32, #tpu.memory_space<hbm>> -> memref<80x128xf32, #tpu.memory_space<hbm>>
          %dma_start3A_214 = arith.constant 0 : i32
          %dma_start3A_215 = tpu.memref_slice %arg8[%multiple_of3A_211, %dma_start3A_214] : memref<50000x128xf32, #tpu.memory_space<hbm>> -> memref<80x128xf32, #tpu.memory_space<hbm>>
          tpu.enqueue_dma source(%arg15 : memref<80x128xf32, #tpu.memory_space<vmem>>) target(%dma_start3A_215 : memref<80x128xf32, #tpu.memory_space<hbm>>) target_semaphore(%run_scoped3A : memref<!tpu.dma_semaphore, #tpu.memory_space<semaphore_mem>>)
          %dma_wait3A_216 = arith.constant 0 : i32
          %dma_wait3A_217 = tpu.memref_slice %arg8[%multiple_of3A_211, %dma_wait3A_216] : memref<50000x128xf32, #tpu.memory_space<hbm>> -> memref<80x128xf32, #tpu.memory_space<hbm>>
          %dma_wait3A_218 = arith.constant 0 : i32
          %dma_wait3A_219 = tpu.memref_slice %arg8[%multiple_of3A_211, %dma_wait3A_218] : memref<50000x128xf32, #tpu.memory_space<hbm>> -> memref<80x128xf32, #tpu.memory_space<hbm>>
          tpu.wait_dma2 semaphore(%run_scoped3A : memref<!tpu.dma_semaphore, #tpu.memory_space<semaphore_mem>>) src(%arg15 : memref<80x128xf32, #tpu.memory_space<vmem>>) dst(%dma_wait3A_219 : memref<80x128xf32, #tpu.memory_space<hbm>>)
          tpu.yield
        }) : () -> ()
      } else {
      }
      %lt3A_196 = arith.constant 625 : i32
      %lt3A_197 = arith.cmpi slt, %add3A_188, %lt3A_196 : i32
      %convert_element_type3A_198 = arith.extui %lt3A_197 : i1 to i32
      %cond3A_199 = arith.constant 0 : i32
      %cond3A_200 = arith.cmpi ne, %convert_element_type3A_198, %cond3A_199 : i32
      scf.if %cond3A_200 {
        %mul3A_206 = arith.constant 80 : i32
        %mul3A_207 = arith.muli %add3A_188, %mul3A_206 : i32
        %multiple_of3A_208 = tpu.assume_multiple %mul3A_207, 8 : i32
        "tpu.region"() ({
          %run_scoped3A = tpu.sem_alloc : memref<!tpu.dma_semaphore, #tpu.memory_space<semaphore_mem>>
          %dma_start3A_292 = tpu.memref_slice %arg5[%multiple_of3A_208] : memref<50000xi32, #tpu.memory_space<hbm>> -> memref<80xi32, #tpu.memory_space<hbm>>
          %dma_start3A_293 = tpu.memref_slice %arg5[%multiple_of3A_208] : memref<50000xi32, #tpu.memory_space<hbm>> -> memref<80xi32, #tpu.memory_space<hbm>>
          tpu.enqueue_dma source(%dma_start3A_293 : memref<80xi32, #tpu.memory_space<hbm>>) target(%arg10 : memref<80xi32, #tpu.memory_space<vmem>>) target_semaphore(%run_scoped3A : memref<!tpu.dma_semaphore, #tpu.memory_space<semaphore_mem>>)
          %dma_wait3A_294 = tpu.memref_slice %arg5[%multiple_of3A_208] : memref<50000xi32, #tpu.memory_space<hbm>> -> memref<80xi32, #tpu.memory_space<hbm>>
          %dma_wait3A_295 = tpu.memref_slice %arg5[%multiple_of3A_208] : memref<50000xi32, #tpu.memory_space<hbm>> -> memref<80xi32, #tpu.memory_space<hbm>>
          tpu.wait_dma2 semaphore(%run_scoped3A : memref<!tpu.dma_semaphore, #tpu.memory_space<semaphore_mem>>) src(%dma_wait3A_295 : memref<80xi32, #tpu.memory_space<hbm>>) dst(%arg10 : memref<80xi32, #tpu.memory_space<vmem>>)
          tpu.yield
        }) : () -> ()
        "tpu.region"() ({
          %run_scoped3A = tpu.sem_alloc : memref<!tpu.dma_semaphore, #tpu.memory_space<semaphore_mem>>
          %dma_start3A_292 = tpu.memref_slice %arg6[%multiple_of3A_208] : memref<50000xf32, #tpu.memory_space<hbm>> -> memref<80xf32, #tpu.memory_space<hbm>>
          %dma_start3A_293 = tpu.memref_slice %arg6[%multiple_of3A_208] : memref<50000xf32, #tpu.memory_space<hbm>> -> memref<80xf32, #tpu.memory_space<hbm>>
          tpu.enqueue_dma source(%dma_start3A_293 : memref<80xf32, #tpu.memory_space<hbm>>) target(%arg14 : memref<80xf32, #tpu.memory_space<vmem>>) target_semaphore(%run_scoped3A : memref<!tpu.dma_semaphore, #tpu.memory_space<semaphore_mem>>)
          %dma_wait3A_294 = tpu.memref_slice %arg6[%multiple_of3A_208] : memref<50000xf32, #tpu.memory_space<hbm>> -> memref<80xf32, #tpu.memory_space<hbm>>
          %dma_wait3A_295 = tpu.memref_slice %arg6[%multiple_of3A_208] : memref<50000xf32, #tpu.memory_space<hbm>> -> memref<80xf32, #tpu.memory_space<hbm>>
          tpu.wait_dma2 semaphore(%run_scoped3A : memref<!tpu.dma_semaphore, #tpu.memory_space<semaphore_mem>>) src(%dma_wait3A_295 : memref<80xf32, #tpu.memory_space<hbm>>) dst(%arg14 : memref<80xf32, #tpu.memory_space<vmem>>)
          tpu.yield
        }) : () -> ()
        %get3A_209 = arith.constant 0 : index
        %get3A_210 = tpu.vector_load %arg14[%get3A_209] {strides = array<i32>} : memref<80xf32, #tpu.memory_space<vmem>>, vector<16xf32>,
        %get3A_211 = vector.shape_cast %get3A_210 : vector<16xf32> to vector<16xf32>
        %gt3A_212 = arith.constant 0.000000e+00 : f32
        %gt3A_213 = vector.broadcast %gt3A_212 : f32 to vector<16xf32>
        %gt3A_214 = arith.cmpf ogt, %get3A_211, %gt3A_213 : vector<16xf32>
        %get3A_215 = arith.constant 0 : index
        %get3A_216 = tpu.vector_load %arg10[%get3A_215] {strides = array<i32>} : memref<80xi32, #tpu.memory_space<vmem>>, vector<16xi32>,
        %get3A_217 = vector.shape_cast %get3A_216 : vector<16xi32> to vector<16xi32>
        %jit3A_218 = arith.constant 10000 : i32
        %broadcast_in_dim3A_219 = vector.broadcast %jit3A_218 : i32 to vector<16xi32>
        %select_n3A_220 = arith.select %gt3A_214, %get3A_217, %broadcast_in_dim3A_219 : vector<16xi1>, vector<16xi32>
        %swap3A_221 = arith.constant 0 : index
        %swap3A_222 = tpu.vector_load %arg10[%swap3A_221] {strides = array<i32>} : memref<80xi32, #tpu.memory_space<vmem>>, vector<16xi32>,
        %swap3A_223 = vector.shape_cast %swap3A_222 : vector<16xi32> to vector<16xi32>
        %swap3A_224 = vector.shape_cast %select_n3A_220 : vector<16xi32> to vector<16xi32>
        tpu.vector_store %arg10[%swap3A_221], %swap3A_224 {strides = array<i32>} : memref<80xi32, #tpu.memory_space<vmem>>, vector<16xi32>,
        %get3A_225 = arith.constant 16 : index
        %get3A_226 = tpu.vector_load %arg14[%get3A_225] {strides = array<i32>} : memref<80xf32, #tpu.memory_space<vmem>>, vector<16xf32>,
        %get3A_227 = vector.shape_cast %get3A_226 : vector<16xf32> to vector<16xf32>
        %gt3A_228 = arith.constant 0.000000e+00 : f32
        %gt3A_229 = vector.broadcast %gt3A_228 : f32 to vector<16xf32>
        %gt3A_230 = arith.cmpf ogt, %get3A_227, %gt3A_229 : vector<16xf32>
        %get3A_231 = arith.constant 16 : index
        %get3A_232 = tpu.vector_load %arg10[%get3A_231] {strides = array<i32>} : memref<80xi32, #tpu.memory_space<vmem>>, vector<16xi32>,
        %get3A_233 = vector.shape_cast %get3A_232 : vector<16xi32> to vector<16xi32>
        %jit3A_234 = arith.constant 10000 : i32
        %broadcast_in_dim3A_235 = vector.broadcast %jit3A_234 : i32 to vector<16xi32>
        %select_n3A_236 = arith.select %gt3A_230, %get3A_233, %broadcast_in_dim3A_235 : vector<16xi1>, vector<16xi32>
        %swap3A_237 = arith.constant 16 : index
        %swap3A_238 = tpu.vector_load %arg10[%swap3A_237] {strides = array<i32>} : memref<80xi32, #tpu.memory_space<vmem>>, vector<16xi32>,
        %swap3A_239 = vector.shape_cast %swap3A_238 : vector<16xi32> to vector<16xi32>
        %swap3A_240 = vector.shape_cast %select_n3A_236 : vector<16xi32> to vector<16xi32>
        tpu.vector_store %arg10[%swap3A_237], %swap3A_240 {strides = array<i32>} : memref<80xi32, #tpu.memory_space<vmem>>, vector<16xi32>,
        %get3A_241 = arith.constant 32 : index
        %get3A_242 = tpu.vector_load %arg14[%get3A_241] {strides = array<i32>} : memref<80xf32, #tpu.memory_space<vmem>>, vector<16xf32>,
        %get3A_243 = vector.shape_cast %get3A_242 : vector<16xf32> to vector<16xf32>
        %gt3A_244 = arith.constant 0.000000e+00 : f32
        %gt3A_245 = vector.broadcast %gt3A_244 : f32 to vector<16xf32>
        %gt3A_246 = arith.cmpf ogt, %get3A_243, %gt3A_245 : vector<16xf32>
        %get3A_247 = arith.constant 32 : index
        %get3A_248 = tpu.vector_load %arg10[%get3A_247] {strides = array<i32>} : memref<80xi32, #tpu.memory_space<vmem>>, vector<16xi32>,
        %get3A_249 = vector.shape_cast %get3A_248 : vector<16xi32> to vector<16xi32>
        %jit3A_250 = arith.constant 10000 : i32
        %broadcast_in_dim3A_251 = vector.broadcast %jit3A_250 : i32 to vector<16xi32>
        %select_n3A_252 = arith.select %gt3A_246, %get3A_249, %broadcast_in_dim3A_251 : vector<16xi1>, vector<16xi32>
        %swap3A_253 = arith.constant 32 : index
        %swap3A_254 = tpu.vector_load %arg10[%swap3A_253] {strides = array<i32>} : memref<80xi32, #tpu.memory_space<vmem>>, vector<16xi32>,
        %swap3A_255 = vector.shape_cast %swap3A_254 : vector<16xi32> to vector<16xi32>
        %swap3A_256 = vector.shape_cast %select_n3A_252 : vector<16xi32> to vector<16xi32>
        tpu.vector_store %arg10[%swap3A_253], %swap3A_256 {strides = array<i32>} : memref<80xi32, #tpu.memory_space<vmem>>, vector<16xi32>,
        %get3A_257 = arith.constant 48 : index
        %get3A_258 = tpu.vector_load %arg14[%get3A_257] {strides = array<i32>} : memref<80xf32, #tpu.memory_space<vmem>>, vector<16xf32>,
        %get3A_259 = vector.shape_cast %get3A_258 : vector<16xf32> to vector<16xf32>
        %gt3A_260 = arith.constant 0.000000e+00 : f32
        %gt3A_261 = vector.broadcast %gt3A_260 : f32 to vector<16xf32>
        %gt3A_262 = arith.cmpf ogt, %get3A_259, %gt3A_261 : vector<16xf32>
        %get3A_263 = arith.constant 48 : index
        %get3A_264 = tpu.vector_load %arg10[%get3A_263] {strides = array<i32>} : memref<80xi32, #tpu.memory_space<vmem>>, vector<16xi32>,
        %get3A_265 = vector.shape_cast %get3A_264 : vector<16xi32> to vector<16xi32>
        %jit3A_266 = arith.constant 10000 : i32
        %broadcast_in_dim3A_267 = vector.broadcast %jit3A_266 : i32 to vector<16xi32>
        %select_n3A_268 = arith.select %gt3A_262, %get3A_265, %broadcast_in_dim3A_267 : vector<16xi1>, vector<16xi32>
        %swap3A_269 = arith.constant 48 : index
        %swap3A_270 = tpu.vector_load %arg10[%swap3A_269] {strides = array<i32>} : memref<80xi32, #tpu.memory_space<vmem>>, vector<16xi32>,
        %swap3A_271 = vector.shape_cast %swap3A_270 : vector<16xi32> to vector<16xi32>
        %swap3A_272 = vector.shape_cast %select_n3A_268 : vector<16xi32> to vector<16xi32>
        tpu.vector_store %arg10[%swap3A_269], %swap3A_272 {strides = array<i32>} : memref<80xi32, #tpu.memory_space<vmem>>, vector<16xi32>,
        %get3A_273 = arith.constant 64 : index
        %get3A_274 = tpu.vector_load %arg14[%get3A_273] {strides = array<i32>} : memref<80xf32, #tpu.memory_space<vmem>>, vector<16xf32>,
        %get3A_275 = vector.shape_cast %get3A_274 : vector<16xf32> to vector<16xf32>
        %gt3A_276 = arith.constant 0.000000e+00 : f32
        %gt3A_277 = vector.broadcast %gt3A_276 : f32 to vector<16xf32>
        %gt3A_278 = arith.cmpf ogt, %get3A_275, %gt3A_277 : vector<16xf32>
        %get3A_279 = arith.constant 64 : index
        %get3A_280 = tpu.vector_load %arg10[%get3A_279] {strides = array<i32>} : memref<80xi32, #tpu.memory_space<vmem>>, vector<16xi32>,
        %get3A_281 = vector.shape_cast %get3A_280 : vector<16xi32> to vector<16xi32>
        %jit3A_282 = arith.constant 10000 : i32
        %broadcast_in_dim3A_283 = vector.broadcast %jit3A_282 : i32 to vector<16xi32>
        %select_n3A_284 = arith.select %gt3A_278, %get3A_281, %broadcast_in_dim3A_283 : vector<16xi1>, vector<16xi32>
        %swap3A_285 = arith.constant 64 : index
        %swap3A_286 = tpu.vector_load %arg10[%swap3A_285] {strides = array<i32>} : memref<80xi32, #tpu.memory_space<vmem>>, vector<16xi32>,
        %swap3A_287 = vector.shape_cast %swap3A_286 : vector<16xi32> to vector<16xi32>
        %swap3A_288 = vector.shape_cast %select_n3A_284 : vector<16xi32> to vector<16xi32>
        tpu.vector_store %arg10[%swap3A_285], %swap3A_288 {strides = array<i32>} : memref<80xi32, #tpu.memory_space<vmem>>, vector<16xi32>,
        %dma_start3A_289 = arith.constant 0 : i32
        %dma_start3A_290 = arith.constant 0 : i32
        %dma_start3A_291 = tpu.memref_slice %arg2[%dma_start3A_289, %dma_start3A_290] : memref<10008x128xf32, #tpu.memory_space<hbm>> -> memref<10008x128xf32, #tpu.memory_space<hbm>>
        tpu.enqueue_indirect_dma source(%dma_start3A_291 : memref<10008x128xf32, #tpu.memory_space<hbm>>) target(%arg15 : memref<80x128xf32, #tpu.memory_space<vmem>>) offsets(%arg10 : memref<80xi32, #tpu.memory_space<vmem>>) semaphore(%arg18 : memref<!tpu.dma_semaphore, #tpu.memory_space<semaphore_mem>>)
      } else {
      }
      %lt3A_201 = arith.constant 625 : i32
      %lt3A_202 = arith.cmpi slt, %add3A_186, %lt3A_201 : i32
      %convert_element_type3A_203 = arith.extui %lt3A_202 : i1 to i32
      %cond3A_204 = arith.constant 0 : i32
      %cond3A_205 = arith.cmpi ne, %convert_element_type3A_203, %cond3A_204 : i32
      scf.if %cond3A_205 {
        %dma_wait3A_206 = arith.constant 0 : i32
        %dma_wait3A_207 = arith.constant 0 : i32
        %dma_wait3A_208 = tpu.memref_slice %arg2[%dma_wait3A_206, %dma_wait3A_207] : memref<10008x128xf32, #tpu.memory_space<hbm>> -> memref<10008x128xf32, #tpu.memory_space<hbm>>
        tpu.wait_indirect_dma semaphore(%arg19 : memref<!tpu.dma_semaphore, #tpu.memory_space<semaphore_mem>>) src(%dma_wait3A_208 : memref<10008x128xf32, #tpu.memory_space<hbm>>) dst(%arg16 : memref<80x128xf32, #tpu.memory_space<vmem>>)
        %mul3A_209 = arith.constant 80 : i32
        %mul3A_210 = arith.muli %add3A_186, %mul3A_209 : i32
        %multiple_of3A_211 = tpu.assume_multiple %mul3A_210, 8 : i32
        "tpu.region"() ({
          %run_scoped3A = tpu.sem_alloc : memref<!tpu.dma_semaphore, #tpu.memory_space<semaphore_mem>>
          %dma_start3A_212 = arith.constant 0 : i32
          %dma_start3A_213 = tpu.memref_slice %arg8[%multiple_of3A_211, %dma_start3A_212] : memref<50000x128xf32, #tpu.memory_space<hbm>> -> memref<80x128xf32, #tpu.memory_space<hbm>>
          %dma_start3A_214 = arith.constant 0 : i32
          %dma_start3A_215 = tpu.memref_slice %arg8[%multiple_of3A_211, %dma_start3A_214] : memref<50000x128xf32, #tpu.memory_space<hbm>> -> memref<80x128xf32, #tpu.memory_space<hbm>>
          tpu.enqueue_dma source(%arg16 : memref<80x128xf32, #tpu.memory_space<vmem>>) target(%dma_start3A_215 : memref<80x128xf32, #tpu.memory_space<hbm>>) target_semaphore(%run_scoped3A : memref<!tpu.dma_semaphore, #tpu.memory_space<semaphore_mem>>)
          %dma_wait3A_216 = arith.constant 0 : i32
          %dma_wait3A_217 = tpu.memref_slice %arg8[%multiple_of3A_211, %dma_wait3A_216] : memref<50000x128xf32, #tpu.memory_space<hbm>> -> memref<80x128xf32, #tpu.memory_space<hbm>>
          %dma_wait3A_218 = arith.constant 0 : i32
          %dma_wait3A_219 = tpu.memref_slice %arg8[%multiple_of3A_211, %dma_wait3A_218] : memref<50000x128xf32, #tpu.memory_space<hbm>> -> memref<80x128xf32, #tpu.memory_space<hbm>>
          tpu.wait_dma2 semaphore(%run_scoped3A : memref<!tpu.dma_semaphore, #tpu.memory_space<semaphore_mem>>) src(%arg16 : memref<80x128xf32, #tpu.memory_space<vmem>>) dst(%dma_wait3A_219 : memref<80x128xf32, #tpu.memory_space<hbm>>)
          tpu.yield
        }) : () -> ()
      } else {
      }
    }
    %scan3A_180 = arith.constant 10 : i32
    return
  }
}

module attributes {stable_mosaic.version = 14 : i64} {
  func.func @_tc_body(%arg0: i32, %arg1: i32, %arg2: memref<2000x128xf32, #tpu.memory_space<vmem>>, %arg3: memref<1x2000x128xf32, #tpu.memory_space<vmem>>, %arg4: memref<1x2000x128xf32, #tpu.memory_space<vmem>>, %arg5: memref<5x2000x128xf32, #tpu.memory_space<vmem>>, %arg6: memref<1x1x2000xf32, #tpu.memory_space<vmem>>, %arg7: memref<128x128xf32, #tpu.memory_space<vmem>>, %arg8: memref<1x128xf32, #tpu.memory_space<vmem>>, %arg9: memref<128x128xf32, #tpu.memory_space<vmem>>, %arg10: memref<1x128xf32, #tpu.memory_space<vmem>>, %arg11: memref<128x128xf32, #tpu.memory_space<vmem>>, %arg12: memref<1x128xf32, #tpu.memory_space<vmem>>, %arg13: memref<35x128xf32, #tpu.memory_space<vmem>>, %arg14: memref<35x128xf32, #tpu.memory_space<vmem>>, %arg15: memref<128x128xf32, #tpu.memory_space<vmem>>, %arg16: memref<1x128xf32, #tpu.memory_space<vmem>>, %arg17: memref<2000x128xf32, #tpu.memory_space<vmem>>, %arg18: memref<1x1xf32, #tpu.memory_space<smem>>, %arg19: memref<2000x128xf32, #tpu.memory_space<vmem>>, %arg20: memref<40x128xf32, #tpu.memory_space<vmem>>) attributes {dimension_semantics = [#tpu.dimension_semantics<arbitrary>, #tpu.dimension_semantics<arbitrary>], iteration_bounds = array<i64: 5, 3>, scalar_prefetch = 0 : i64, scratch_operands = 2 : i64, tpu.core_type = #tpu.core_type<tc>, window_params = [{transform_indices = @transform_0, window_bounds = array<i64: 2000, 128>}, {transform_indices = @transform_1, window_bounds = array<i64: 1, 2000, 128>}, {transform_indices = @transform_2, window_bounds = array<i64: 1, 2000, 128>}, {transform_indices = @transform_3, window_bounds = array<i64: 5, 2000, 128>}, {transform_indices = @transform_4, window_bounds = array<i64: 1, 1, 2000>}, {pipeline_mode = #tpu.pipeline_mode<synchronous>, transform_indices = @transform_5, window_bounds = array<i64: 128, 128>}, {pipeline_mode = #tpu.pipeline_mode<synchronous>, transform_indices = @transform_6, window_bounds = array<i64: 1, 128>}, {pipeline_mode = #tpu.pipeline_mode<synchronous>, transform_indices = @transform_7, window_bounds = array<i64: 128, 128>}, {pipeline_mode = #tpu.pipeline_mode<synchronous>, transform_indices = @transform_8, window_bounds = array<i64: 1, 128>}, {pipeline_mode = #tpu.pipeline_mode<synchronous>, transform_indices = @transform_9, window_bounds = array<i64: 128, 128>}, {pipeline_mode = #tpu.pipeline_mode<synchronous>, transform_indices = @transform_10, window_bounds = array<i64: 1, 128>}, {pipeline_mode = #tpu.pipeline_mode<synchronous>, transform_indices = @transform_11, window_bounds = array<i64: 35, 128>}, {pipeline_mode = #tpu.pipeline_mode<synchronous>, transform_indices = @transform_12, window_bounds = array<i64: 35, 128>}, {pipeline_mode = #tpu.pipeline_mode<synchronous>, transform_indices = @transform_13, window_bounds = array<i64: 128, 128>}, {pipeline_mode = #tpu.pipeline_mode<synchronous>, transform_indices = @transform_14, window_bounds = array<i64: 1, 128>}, {transform_indices = @transform_15, window_bounds = array<i64: 2000, 128>}, {transform_indices = @transform_16, window_bounds = array<i64: 1, 1>}]} {
    %eq3A = arith.constant 0 : i32
    %eq3A_0 = arith.cmpi eq, %arg0, %eq3A : i32
    %eq3A_1 = arith.constant 0 : i32
    %eq3A_2 = arith.cmpi eq, %arg1, %eq3A_1 : i32
    %and3A = arith.andi %eq3A_0, %eq3A_2 : i1
    %convert_element_type3A = arith.extui %and3A : i1 to i32
    %cond3A = arith.constant 0 : i32
    %cond3A_3 = arith.cmpi ne, %convert_element_type3A, %cond3A : i32
    scf.if %cond3A_3 {
      %swap3A_118 = arith.constant 0.000000e+00 : f32
      %swap3A_119 = arith.constant 0 : index
      %swap3A_120 = arith.constant 0 : index
      %swap3A_121 = memref.load %arg18[%swap3A_119, %swap3A_120] : memref<1x1xf32, #tpu.memory_space<smem>>
      memref.store %swap3A_118, %arg18[%swap3A_119, %swap3A_120] : memref<1x1xf32, #tpu.memory_space<smem>>
    } else {
    }
    %eq3A_4 = arith.constant 0 : i32
    %eq3A_5 = arith.cmpi eq, %arg1, %eq3A_4 : i32
    %convert_element_type3A_6 = arith.extui %eq3A_5 : i1 to i32
    %cond3A_7 = arith.constant 0 : i32
    %cond3A_8 = arith.cmpi ne, %convert_element_type3A_6, %cond3A_7 : i32
    scf.if %cond3A_8 {
      %get3A_118 = arith.constant 0 : index
      %get3A_119 = arith.constant 0 : index
      %get3A_120 = vector.load %arg2[%get3A_118, %get3A_119] : memref<2000x128xf32, #tpu.memory_space<vmem>>, vector<2000x128xf32>
      %get3A_121 = arith.constant 0 : index
      %get3A_122 = arith.constant 0 : index
      %get3A_123 = arith.constant 0 : index
      %get3A_124 = vector.load %arg3[%get3A_121, %get3A_122, %get3A_123] : memref<1x2000x128xf32, #tpu.memory_space<vmem>>, vector<1x2000x128xf32>
      %get3A_125 = vector.shape_cast %get3A_124 : vector<1x2000x128xf32> to vector<2000x128xf32>
      %add3A_126 = arith.addf %get3A_120, %get3A_125 : vector<2000x128xf32>
      %get3A_127 = arith.constant 0 : index
      %get3A_128 = arith.constant 0 : index
      %get3A_129 = arith.constant 0 : index
      %get3A_130 = vector.load %arg4[%get3A_127, %get3A_128, %get3A_129] : memref<1x2000x128xf32, #tpu.memory_space<vmem>>, vector<1x2000x128xf32>
      %get3A_131 = vector.shape_cast %get3A_130 : vector<1x2000x128xf32> to vector<2000x128xf32>
      %add3A_132 = arith.addf %add3A_126, %get3A_131 : vector<2000x128xf32>
      %get3A_133 = arith.constant 0 : index
      %get3A_134 = arith.constant 0 : index
      %get3A_135 = vector.load %arg7[%get3A_133, %get3A_134] : memref<128x128xf32, #tpu.memory_space<vmem>>, vector<128x128xf32>
      %dot_general3A_136 = arith.constant dense<0.000000e+00> : vector<2000x128xf32>
      %dot_general3A_137 = tpu.matmul %add3A_132, %get3A_135, %dot_general3A_136 {dimension_numbers = #tpu.dot_dimension_numbers<[1], [0], [0], [1], [0, 0, 1, 1], [], []>, transpose_lhs_hint = false} : vector<2000x128xf32>, vector<128x128xf32>, vector<2000x128xf32> -> vector<2000x128xf32>
      %get3A_138 = arith.constant 0 : index
      %get3A_139 = arith.constant 0 : index
      %get3A_140 = vector.load %arg8[%get3A_138, %get3A_139] : memref<1x128xf32, #tpu.memory_space<vmem>>, vector<1x128xf32>
      %add3A_141 = vector.broadcast %get3A_140 : vector<1x128xf32> to vector<2000x128xf32>
      %add3A_142 = arith.addf %dot_general3A_137, %add3A_141 : vector<2000x128xf32>
      %max3A_143 = arith.constant 0.000000e+00 : f32
      %max3A_144 = vector.broadcast %max3A_143 : f32 to vector<2000x128xf32>
      %max3A_145 = arith.maximumf %add3A_142, %max3A_144 : vector<2000x128xf32>
      %get3A_146 = arith.constant 0 : index
      %get3A_147 = arith.constant 0 : index
      %get3A_148 = vector.load %arg9[%get3A_146, %get3A_147] : memref<128x128xf32, #tpu.memory_space<vmem>>, vector<128x128xf32>
      %dot_general3A_149 = arith.constant dense<0.000000e+00> : vector<2000x128xf32>
      %dot_general3A_150 = tpu.matmul %max3A_145, %get3A_148, %dot_general3A_149 {dimension_numbers = #tpu.dot_dimension_numbers<[1], [0], [0], [1], [0, 0, 1, 1], [], []>, transpose_lhs_hint = false} : vector<2000x128xf32>, vector<128x128xf32>, vector<2000x128xf32> -> vector<2000x128xf32>
      %get3A_151 = arith.constant 0 : index
      %get3A_152 = arith.constant 0 : index
      %get3A_153 = vector.load %arg10[%get3A_151, %get3A_152] : memref<1x128xf32, #tpu.memory_space<vmem>>, vector<1x128xf32>
      %add3A_154 = vector.broadcast %get3A_153 : vector<1x128xf32> to vector<2000x128xf32>
      %add3A_155 = arith.addf %dot_general3A_150, %add3A_154 : vector<2000x128xf32>
      %swap3A_156 = arith.constant 0 : index
      %swap3A_157 = arith.constant 0 : index
      %swap3A_158 = vector.load %arg17[%swap3A_156, %swap3A_157] : memref<2000x128xf32, #tpu.memory_space<vmem>>, vector<2000x128xf32>
      tpu.vector_store %arg17[%swap3A_156, %swap3A_157], %add3A_155 {strides = array<i32>} : memref<2000x128xf32, #tpu.memory_space<vmem>>, vector<2000x128xf32>,
      %get3A_159 = arith.constant 0 : index
      %get3A_160 = arith.constant 0 : index
      %get3A_161 = vector.load %arg11[%get3A_159, %get3A_160] : memref<128x128xf32, #tpu.memory_space<vmem>>, vector<128x128xf32>
      %dot_general3A_162 = arith.constant dense<0.000000e+00> : vector<2000x128xf32>
      %dot_general3A_163 = tpu.matmul %add3A_155, %get3A_161, %dot_general3A_162 {dimension_numbers = #tpu.dot_dimension_numbers<[1], [0], [0], [1], [0, 0, 1, 1], [], []>, transpose_lhs_hint = false} : vector<2000x128xf32>, vector<128x128xf32>, vector<2000x128xf32> -> vector<2000x128xf32>
      %get3A_164 = arith.constant 0 : index
      %get3A_165 = arith.constant 0 : index
      %get3A_166 = vector.load %arg12[%get3A_164, %get3A_165] : memref<1x128xf32, #tpu.memory_space<vmem>>, vector<1x128xf32>
      %add3A_167 = vector.broadcast %get3A_166 : vector<1x128xf32> to vector<2000x128xf32>
      %add3A_168 = arith.addf %dot_general3A_163, %add3A_167 : vector<2000x128xf32>
      %swap3A_169 = arith.constant 0 : index
      %swap3A_170 = arith.constant 0 : index
      %swap3A_171 = vector.load %arg19[%swap3A_169, %swap3A_170] : memref<2000x128xf32, #tpu.memory_space<vmem>>, vector<2000x128xf32>
      tpu.vector_store %arg19[%swap3A_169, %swap3A_170], %add3A_168 {strides = array<i32>} : memref<2000x128xf32, #tpu.memory_space<vmem>>, vector<2000x128xf32>,
      %get3A_172 = arith.constant 0 : index
      %get3A_173 = arith.constant 0 : index
      %get3A_174 = vector.load %arg14[%get3A_172, %get3A_173] : memref<35x128xf32, #tpu.memory_space<vmem>>, vector<35x128xf32>
      %exp3A_175 = math.exp %get3A_174 : vector<35x128xf32>
      %swap3A_176 = arith.constant 0 : index
      %swap3A_177 = arith.constant 0 : index
      %swap3A_178 = vector.load %arg20[%swap3A_176, %swap3A_177] : memref<40x128xf32, #tpu.memory_space<vmem>>, vector<35x128xf32>
      tpu.vector_store %arg20[%swap3A_176, %swap3A_177], %exp3A_175 {strides = array<i32>} : memref<40x128xf32, #tpu.memory_space<vmem>>, vector<35x128xf32>,
      %get3A_179 = arith.constant 0 : index
      %get3A_180 = arith.constant 0 : index
      %get3A_181 = arith.constant 0 : index
      %get3A_182 = vector.load %arg6[%get3A_179, %get3A_180, %get3A_181] : memref<1x1x2000xf32, #tpu.memory_space<vmem>>, vector<1x1x2000xf32>
      %get3A_183 = vector.shape_cast %get3A_182 : vector<1x1x2000xf32> to vector<2000xf32>
      %get3A_184 = arith.constant 0 : index
      %get3A_185 = arith.constant 0 : index
      %get3A_186 = memref.load %arg18[%get3A_184, %get3A_185] : memref<1x1xf32, #tpu.memory_space<smem>>
      %sub3A_187 = arith.constant 1.000000e+00 : f32
      %sub3A_188 = vector.broadcast %sub3A_187 : f32 to vector<2000xf32>
      %sub3A_189 = arith.subf %sub3A_188, %get3A_183 : vector<2000xf32>
      %integer_pow3A = arith.mulf %sub3A_189, %sub3A_189 : vector<2000xf32>
      %reduce_sum3A_190 = vector.shape_cast %integer_pow3A : vector<2000xf32> to vector<1x2000xf32>
      %reduce_sum3A_191 = arith.constant dense<0.000000e+00> : vector<1xf32>
      %reduce_sum3A_192 = vector.multi_reduction <add>, %reduce_sum3A_190, %reduce_sum3A_191 [1] : vector<1x2000xf32> to vector<1xf32>
      %reduce_sum3A_193 = vector.shape_cast %reduce_sum3A_192 : vector<1xf32> to vector<1x1xf32>
      %reduce_sum3A_194 = vector.extract %reduce_sum3A_193[0, 0] : f32 from vector<1x1xf32>
      %mul3A_195 = arith.constant 1.000000e-03 : f32
      %mul3A_196 = arith.mulf %mul3A_195, %reduce_sum3A_194 : f32
      %add3A_197 = arith.addf %get3A_186, %mul3A_196 : f32
      %swap3A_198 = arith.constant 0 : index
      %swap3A_199 = arith.constant 0 : index
      %swap3A_200 = memref.load %arg18[%swap3A_198, %swap3A_199] : memref<1x1xf32, #tpu.memory_space<smem>>
      memref.store %add3A_197, %arg18[%swap3A_198, %swap3A_199] : memref<1x1xf32, #tpu.memory_space<smem>>
    } else {
    }
    %mul3A = arith.constant 3 : i32
    %mul3A_9 = arith.muli %arg0, %mul3A : i32
    %add3A = arith.addi %mul3A_9, %arg1 : i32
    %prng_seed3A = arith.constant 1234567 : i32
    "tpu.prng_set_seed_32"(%prng_seed3A, %add3A) : (i32, i32) -> ()
    %prng_random_bits3A = "tpu.prng_random_bits"() : () -> vector<2000x128xi32>
    %shift_right_logical3A = arith.constant 9 : i32
    %shift_right_logical3A_10 = vector.broadcast %shift_right_logical3A : i32 to vector<2000x128xi32>
    %shift_right_logical3A_11 = arith.shrui %prng_random_bits3A, %shift_right_logical3A_10 : vector<2000x128xi32>
    %or3A = arith.constant 1065353216 : i32
    %or3A_12 = vector.broadcast %or3A : i32 to vector<2000x128xi32>
    %or3A_13 = arith.ori %shift_right_logical3A_11, %or3A_12 : vector<2000x128xi32>
    %bitcast_convert_type3A = tpu.bitcast %or3A_13 : vector<2000x128xi32> -> vector<2000x128xf32>
    %sub3A = arith.constant 1.000000e+00 : f32
    %sub3A_14 = vector.broadcast %sub3A : f32 to vector<2000x128xf32>
    %sub3A_15 = arith.subf %bitcast_convert_type3A, %sub3A_14 : vector<2000x128xf32>
    %mul3A_16 = arith.constant 0.999997973 : f32
    %mul3A_17 = vector.broadcast %mul3A_16 : f32 to vector<2000x128xf32>
    %mul3A_18 = arith.mulf %sub3A_15, %mul3A_17 : vector<2000x128xf32>
    %add3A_19 = arith.constant 9.99999997E-7 : f32
    %add3A_20 = vector.broadcast %add3A_19 : f32 to vector<2000x128xf32>
    %add3A_21 = arith.addf %mul3A_18, %add3A_20 : vector<2000x128xf32>
    %max3A = arith.constant 9.99999997E-7 : f32
    %max3A_22 = vector.broadcast %max3A : f32 to vector<2000x128xf32>
    %max3A_23 = arith.maximumf %add3A_21, %max3A_22 : vector<2000x128xf32>
    %log3A = math.log %max3A_23 : vector<2000x128xf32>
    %neg3A = arith.constant 0.000000e+00 : f32
    %neg3A_24 = vector.broadcast %neg3A : f32 to vector<2000x128xf32>
    %neg3A_25 = arith.subf %neg3A_24, %log3A : vector<2000x128xf32>
    %log3A_26 = math.log %neg3A_25 : vector<2000x128xf32>
    %neg3A_27 = arith.constant 0.000000e+00 : f32
    %neg3A_28 = vector.broadcast %neg3A_27 : f32 to vector<2000x128xf32>
    %neg3A_29 = arith.subf %neg3A_28, %log3A_26 : vector<2000x128xf32>
    %get3A = arith.constant 0 : index
    %get3A_30 = arith.constant 0 : index
    %get3A_31 = vector.load %arg19[%get3A, %get3A_30] : memref<2000x128xf32, #tpu.memory_space<vmem>>, vector<2000x128xf32>
    %add3A_32 = arith.addf %get3A_31, %neg3A_29 : vector<2000x128xf32>
    %mul3A_33 = arith.constant 2.000000e+00 : f32
    %mul3A_34 = vector.broadcast %mul3A_33 : f32 to vector<2000x128xf32>
    %mul3A_35 = arith.mulf %add3A_32, %mul3A_34 : vector<2000x128xf32>
    %reduce_max3A = arith.constant dense<0xFF800000> : vector<2000xf32>
    %reduce_max3A_36 = vector.multi_reduction <maximumf>, %mul3A_35, %reduce_max3A [1] : vector<2000x128xf32> to vector<2000xf32>
    %broadcast_in_dim3A = vector.shape_cast %reduce_max3A_36 : vector<2000xf32> to vector<2000x1xf32>
    %sub3A_37 = vector.broadcast %broadcast_in_dim3A : vector<2000x1xf32> to vector<2000x128xf32>
    %sub3A_38 = arith.subf %mul3A_35, %sub3A_37 : vector<2000x128xf32>
    %exp3A = math.exp %sub3A_38 : vector<2000x128xf32>
    %reduce_sum3A = arith.constant dense<0.000000e+00> : vector<2000xf32>
    %reduce_sum3A_39 = vector.multi_reduction <add>, %exp3A, %reduce_sum3A [1] : vector<2000x128xf32> to vector<2000xf32>
    %broadcast_in_dim3A_40 = vector.shape_cast %reduce_sum3A_39 : vector<2000xf32> to vector<2000x1xf32>
    %div3A = vector.broadcast %broadcast_in_dim3A_40 : vector<2000x1xf32> to vector<2000x128xf32>
    %div3A_41 = arith.divf %exp3A, %div3A : vector<2000x128xf32>
    %get3A_42 = arith.constant 0 : index
    %get3A_43 = arith.constant 0 : index
    %get3A_44 = arith.constant 0 : index
    %get3A_45 = vector.load %arg5[%get3A_42, %get3A_43, %get3A_44] : memref<5x2000x128xf32, #tpu.memory_space<vmem>>, vector<1x2000x128xf32>
    %get3A_46 = vector.shape_cast %get3A_45 : vector<1x2000x128xf32> to vector<2000x128xf32>
    %get3A_47 = arith.constant 1 : index
    %get3A_48 = arith.constant 0 : index
    %get3A_49 = arith.constant 0 : index
    %get3A_50 = vector.load %arg5[%get3A_47, %get3A_48, %get3A_49] : memref<5x2000x128xf32, #tpu.memory_space<vmem>>, vector<1x2000x128xf32>
    %get3A_51 = vector.shape_cast %get3A_50 : vector<1x2000x128xf32> to vector<2000x128xf32>
    %get3A_52 = arith.constant 2 : index
    %get3A_53 = arith.constant 0 : index
    %get3A_54 = arith.constant 0 : index
    %get3A_55 = vector.load %arg5[%get3A_52, %get3A_53, %get3A_54] : memref<5x2000x128xf32, #tpu.memory_space<vmem>>, vector<1x2000x128xf32>
    %get3A_56 = vector.shape_cast %get3A_55 : vector<1x2000x128xf32> to vector<2000x128xf32>
    %get3A_57 = arith.constant 3 : index
    %get3A_58 = arith.constant 0 : index
    %get3A_59 = arith.constant 0 : index
    %get3A_60 = vector.load %arg5[%get3A_57, %get3A_58, %get3A_59] : memref<5x2000x128xf32, #tpu.memory_space<vmem>>, vector<1x2000x128xf32>
    %get3A_61 = vector.shape_cast %get3A_60 : vector<1x2000x128xf32> to vector<2000x128xf32>
    %get3A_62 = arith.constant 4 : index
    %get3A_63 = arith.constant 0 : index
    %get3A_64 = arith.constant 0 : index
    %get3A_65 = vector.load %arg5[%get3A_62, %get3A_63, %get3A_64] : memref<5x2000x128xf32, #tpu.memory_space<vmem>>, vector<1x2000x128xf32>
    %get3A_66 = vector.shape_cast %get3A_65 : vector<1x2000x128xf32> to vector<2000x128xf32>
    %mul3A_67 = arith.mulf %get3A_46, %get3A_46 : vector<2000x128xf32>
    %reduce_sum3A_68 = arith.constant dense<0.000000e+00> : vector<2000xf32>
    %reduce_sum3A_69 = vector.multi_reduction <add>, %mul3A_67, %reduce_sum3A_68 [1] : vector<2000x128xf32> to vector<2000xf32>
    %broadcast_in_dim3A_70 = vector.shape_cast %reduce_sum3A_69 : vector<2000xf32> to vector<2000x1xf32>
    %mul3A_71 = arith.mulf %get3A_51, %get3A_51 : vector<2000x128xf32>
    %reduce_sum3A_72 = arith.constant dense<0.000000e+00> : vector<2000xf32>
    %reduce_sum3A_73 = vector.multi_reduction <add>, %mul3A_71, %reduce_sum3A_72 [1] : vector<2000x128xf32> to vector<2000xf32>
    %broadcast_in_dim3A_74 = vector.shape_cast %reduce_sum3A_73 : vector<2000xf32> to vector<2000x1xf32>
    %mul3A_75 = arith.mulf %get3A_56, %get3A_56 : vector<2000x128xf32>
    %reduce_sum3A_76 = arith.constant dense<0.000000e+00> : vector<2000xf32>
    %reduce_sum3A_77 = vector.multi_reduction <add>, %mul3A_75, %reduce_sum3A_76 [1] : vector<2000x128xf32> to vector<2000xf32>
    %broadcast_in_dim3A_78 = vector.shape_cast %reduce_sum3A_77 : vector<2000xf32> to vector<2000x1xf32>
    %mul3A_79 = arith.mulf %get3A_61, %get3A_61 : vector<2000x128xf32>
    %reduce_sum3A_80 = arith.constant dense<0.000000e+00> : vector<2000xf32>
    %reduce_sum3A_81 = vector.multi_reduction <add>, %mul3A_79, %reduce_sum3A_80 [1] : vector<2000x128xf32> to vector<2000xf32>
    %broadcast_in_dim3A_82 = vector.shape_cast %reduce_sum3A_81 : vector<2000xf32> to vector<2000x1xf32>
    %mul3A_83 = arith.mulf %get3A_66, %get3A_66 : vector<2000x128xf32>
    %reduce_sum3A_84 = arith.constant dense<0.000000e+00> : vector<2000xf32>
    %reduce_sum3A_85 = vector.multi_reduction <add>, %mul3A_83, %reduce_sum3A_84 [1] : vector<2000x128xf32> to vector<2000xf32>
    %broadcast_in_dim3A_86 = vector.shape_cast %reduce_sum3A_85 : vector<2000xf32> to vector<2000x1xf32>
    %iota3A = tpu.iota {dimensions = array<i32: 1>} : vector<1x128xi32>
    %broadcast_in_dim3A_87 = arith.constant 0.000000e+00 : f32
    %broadcast_in_dim3A_88 = vector.broadcast %broadcast_in_dim3A_87 : f32 to vector<2000x128xf32>
    %scan3A = arith.constant 0 : i32
    %scan3A_89 = arith.constant 5 : i32
    %scan3A_90 = arith.addi %scan3A, %scan3A_89 : i32
    %scan3A_91 = arith.constant 1 : i32
    %scan3A_92 = scf.for %scan3A_118 = %scan3A to %scan3A_90 step %scan3A_91 iter_args(%scan3A_119 = %broadcast_in_dim3A_88) -> (vector<2000x128xf32>)  : i32 {
      %broadcast_in_dim3A_120 = arith.constant 0.000000e+00 : f32
      %broadcast_in_dim3A_121 = vector.broadcast %broadcast_in_dim3A_120 : f32 to vector<2000x128xf32>
      %broadcast_in_dim3A_122 = arith.constant 0.000000e+00 : f32
      %broadcast_in_dim3A_123 = vector.broadcast %broadcast_in_dim3A_122 : f32 to vector<2000x128xf32>
      %prng_random_bits3A_124 = "tpu.prng_random_bits"() : () -> vector<2000x128xi32>
      %shift_right_logical3A_125 = arith.constant 9 : i32
      %shift_right_logical3A_126 = vector.broadcast %shift_right_logical3A_125 : i32 to vector<2000x128xi32>
      %shift_right_logical3A_127 = arith.shrui %prng_random_bits3A_124, %shift_right_logical3A_126 : vector<2000x128xi32>
      %lt3A = arith.constant 6710887 : i32
      %lt3A_128 = vector.broadcast %lt3A : i32 to vector<2000x128xi32>
      %lt3A_129 = arith.cmpi slt, %shift_right_logical3A_127, %lt3A_128 : vector<2000x128xi32>
      %slice3A = vector.extract_strided_slice %div3A_41 {offsets = [0, 0], sizes = [2000, 1], strides = [1, 1]} : vector<2000x128xf32> to vector<2000x1xf32>
      %mul3A_130 = arith.constant 1.250000e+00 : f32
      %mul3A_131 = vector.broadcast %mul3A_130 : f32 to vector<2000x1xf32>
      %mul3A_132 = arith.mulf %slice3A, %mul3A_131 : vector<2000x1xf32>
      %mul3A_133 = arith.constant 7 : i32
      %mul3A_134 = arith.muli %scan3A_118, %mul3A_133 : i32
      %add3A_135 = arith.constant 0 : i32
      %add3A_136 = arith.addi %mul3A_134, %add3A_135 : i32
      %get3A_137 = arith.index_cast %add3A_136 : i32 to index
      %get3A_138 = arith.constant 0 : index
      %get3A_139 = vector.load %arg13[%get3A_137, %get3A_138] : memref<35x128xf32, #tpu.memory_space<vmem>>, vector<1x128xf32>
      %mul3A_140 = arith.constant 7 : i32
      %mul3A_141 = arith.muli %scan3A_118, %mul3A_140 : i32
      %add3A_142 = arith.constant 0 : i32
      %add3A_143 = arith.addi %mul3A_141, %add3A_142 : i32
      %get3A_144 = arith.index_cast %add3A_143 : i32 to index
      %get3A_145 = arith.constant 0 : index
      %get3A_146 = vector.load %arg20[%get3A_144, %get3A_145] : memref<40x128xf32, #tpu.memory_space<vmem>>, vector<1x128xf32>
      %mul3A_147 = vector.broadcast %mul3A_132 : vector<2000x1xf32> to vector<2000x128xf32>
      %mul3A_148 = vector.broadcast %get3A_139 : vector<1x128xf32> to vector<2000x128xf32>
      %mul3A_149 = arith.mulf %mul3A_147, %mul3A_148 : vector<2000x128xf32>
      %jit3A = arith.constant 0.000000e+00 : f32
      %broadcast_in_dim3A_150 = vector.broadcast %jit3A : f32 to vector<2000x128xf32>
      %select_n3A = arith.select %lt3A_129, %mul3A_149, %broadcast_in_dim3A_150 : vector<2000x128xi1>, vector<2000x128xf32>
      %add3A_151 = arith.addf %broadcast_in_dim3A_121, %select_n3A : vector<2000x128xf32>
      %mul3A_152 = vector.broadcast %mul3A_132 : vector<2000x1xf32> to vector<2000x128xf32>
      %mul3A_153 = vector.broadcast %get3A_146 : vector<1x128xf32> to vector<2000x128xf32>
      %mul3A_154 = arith.mulf %mul3A_152, %mul3A_153 : vector<2000x128xf32>
      %mul3A_155 = arith.mulf %mul3A_154, %mul3A_154 : vector<2000x128xf32>
      %jit3A_156 = arith.constant 0.000000e+00 : f32
      %broadcast_in_dim3A_157 = vector.broadcast %jit3A_156 : f32 to vector<2000x128xf32>
      %select_n3A_158 = arith.select %lt3A_129, %mul3A_155, %broadcast_in_dim3A_157 : vector<2000x128xi1>, vector<2000x128xf32>
      %add3A_159 = arith.addf %broadcast_in_dim3A_123, %select_n3A_158 : vector<2000x128xf32>
      %prng_random_bits3A_160 = "tpu.prng_random_bits"() : () -> vector<2000x128xi32>
      %shift_right_logical3A_161 = arith.constant 9 : i32
      %shift_right_logical3A_162 = vector.broadcast %shift_right_logical3A_161 : i32 to vector<2000x128xi32>
      %shift_right_logical3A_163 = arith.shrui %prng_random_bits3A_160, %shift_right_logical3A_162 : vector<2000x128xi32>
      %lt3A_164 = arith.constant 6710887 : i32
      %lt3A_165 = vector.broadcast %lt3A_164 : i32 to vector<2000x128xi32>
      %lt3A_166 = arith.cmpi slt, %shift_right_logical3A_163, %lt3A_165 : vector<2000x128xi32>
      %slice3A_167 = vector.extract_strided_slice %div3A_41 {offsets = [0, 1], sizes = [2000, 1], strides = [1, 1]} : vector<2000x128xf32> to vector<2000x1xf32>
      %mul3A_168 = arith.constant 1.250000e+00 : f32
      %mul3A_169 = vector.broadcast %mul3A_168 : f32 to vector<2000x1xf32>
      %mul3A_170 = arith.mulf %slice3A_167, %mul3A_169 : vector<2000x1xf32>
      %mul3A_171 = arith.constant 7 : i32
      %mul3A_172 = arith.muli %scan3A_118, %mul3A_171 : i32
      %add3A_173 = arith.constant 1 : i32
      %add3A_174 = arith.addi %mul3A_172, %add3A_173 : i32
      %get3A_175 = arith.index_cast %add3A_174 : i32 to index
      %get3A_176 = arith.constant 0 : index
      %get3A_177 = vector.load %arg13[%get3A_175, %get3A_176] : memref<35x128xf32, #tpu.memory_space<vmem>>, vector<1x128xf32>
      %mul3A_178 = arith.constant 7 : i32
      %mul3A_179 = arith.muli %scan3A_118, %mul3A_178 : i32
      %add3A_180 = arith.constant 1 : i32
      %add3A_181 = arith.addi %mul3A_179, %add3A_180 : i32
      %get3A_182 = arith.index_cast %add3A_181 : i32 to index
      %get3A_183 = arith.constant 0 : index
      %get3A_184 = vector.load %arg20[%get3A_182, %get3A_183] : memref<40x128xf32, #tpu.memory_space<vmem>>, vector<1x128xf32>
      %mul3A_185 = vector.broadcast %mul3A_170 : vector<2000x1xf32> to vector<2000x128xf32>
      %mul3A_186 = vector.broadcast %get3A_177 : vector<1x128xf32> to vector<2000x128xf32>
      %mul3A_187 = arith.mulf %mul3A_185, %mul3A_186 : vector<2000x128xf32>
      %jit3A_188 = arith.constant 0.000000e+00 : f32
      %broadcast_in_dim3A_189 = vector.broadcast %jit3A_188 : f32 to vector<2000x128xf32>
      %select_n3A_190 = arith.select %lt3A_166, %mul3A_187, %broadcast_in_dim3A_189 : vector<2000x128xi1>, vector<2000x128xf32>
      %add3A_191 = arith.addf %add3A_151, %select_n3A_190 : vector<2000x128xf32>
      %mul3A_192 = vector.broadcast %mul3A_170 : vector<2000x1xf32> to vector<2000x128xf32>
      %mul3A_193 = vector.broadcast %get3A_184 : vector<1x128xf32> to vector<2000x128xf32>
      %mul3A_194 = arith.mulf %mul3A_192, %mul3A_193 : vector<2000x128xf32>
      %mul3A_195 = arith.mulf %mul3A_194, %mul3A_194 : vector<2000x128xf32>
      %jit3A_196 = arith.constant 0.000000e+00 : f32
      %broadcast_in_dim3A_197 = vector.broadcast %jit3A_196 : f32 to vector<2000x128xf32>
      %select_n3A_198 = arith.select %lt3A_166, %mul3A_195, %broadcast_in_dim3A_197 : vector<2000x128xi1>, vector<2000x128xf32>
      %add3A_199 = arith.addf %add3A_159, %select_n3A_198 : vector<2000x128xf32>
      %prng_random_bits3A_200 = "tpu.prng_random_bits"() : () -> vector<2000x128xi32>
      %shift_right_logical3A_201 = arith.constant 9 : i32
      %shift_right_logical3A_202 = vector.broadcast %shift_right_logical3A_201 : i32 to vector<2000x128xi32>
      %shift_right_logical3A_203 = arith.shrui %prng_random_bits3A_200, %shift_right_logical3A_202 : vector<2000x128xi32>
      %lt3A_204 = arith.constant 6710887 : i32
      %lt3A_205 = vector.broadcast %lt3A_204 : i32 to vector<2000x128xi32>
      %lt3A_206 = arith.cmpi slt, %shift_right_logical3A_203, %lt3A_205 : vector<2000x128xi32>
      %slice3A_207 = vector.extract_strided_slice %div3A_41 {offsets = [0, 2], sizes = [2000, 1], strides = [1, 1]} : vector<2000x128xf32> to vector<2000x1xf32>
      %mul3A_208 = arith.constant 1.250000e+00 : f32
      %mul3A_209 = vector.broadcast %mul3A_208 : f32 to vector<2000x1xf32>
      %mul3A_210 = arith.mulf %slice3A_207, %mul3A_209 : vector<2000x1xf32>
      %mul3A_211 = arith.constant 7 : i32
      %mul3A_212 = arith.muli %scan3A_118, %mul3A_211 : i32
      %add3A_213 = arith.constant 2 : i32
      %add3A_214 = arith.addi %mul3A_212, %add3A_213 : i32
      %get3A_215 = arith.index_cast %add3A_214 : i32 to index
      %get3A_216 = arith.constant 0 : index
      %get3A_217 = vector.load %arg13[%get3A_215, %get3A_216] : memref<35x128xf32, #tpu.memory_space<vmem>>, vector<1x128xf32>
      %mul3A_218 = arith.constant 7 : i32
      %mul3A_219 = arith.muli %scan3A_118, %mul3A_218 : i32
      %add3A_220 = arith.constant 2 : i32
      %add3A_221 = arith.addi %mul3A_219, %add3A_220 : i32
      %get3A_222 = arith.index_cast %add3A_221 : i32 to index
      %get3A_223 = arith.constant 0 : index
      %get3A_224 = vector.load %arg20[%get3A_222, %get3A_223] : memref<40x128xf32, #tpu.memory_space<vmem>>, vector<1x128xf32>
      %mul3A_225 = vector.broadcast %mul3A_210 : vector<2000x1xf32> to vector<2000x128xf32>
      %mul3A_226 = vector.broadcast %get3A_217 : vector<1x128xf32> to vector<2000x128xf32>
      %mul3A_227 = arith.mulf %mul3A_225, %mul3A_226 : vector<2000x128xf32>
      %jit3A_228 = arith.constant 0.000000e+00 : f32
      %broadcast_in_dim3A_229 = vector.broadcast %jit3A_228 : f32 to vector<2000x128xf32>
      %select_n3A_230 = arith.select %lt3A_206, %mul3A_227, %broadcast_in_dim3A_229 : vector<2000x128xi1>, vector<2000x128xf32>
      %add3A_231 = arith.addf %add3A_191, %select_n3A_230 : vector<2000x128xf32>
      %mul3A_232 = vector.broadcast %mul3A_210 : vector<2000x1xf32> to vector<2000x128xf32>
      %mul3A_233 = vector.broadcast %get3A_224 : vector<1x128xf32> to vector<2000x128xf32>
      %mul3A_234 = arith.mulf %mul3A_232, %mul3A_233 : vector<2000x128xf32>
      %mul3A_235 = arith.mulf %mul3A_234, %mul3A_234 : vector<2000x128xf32>
      %jit3A_236 = arith.constant 0.000000e+00 : f32
      %broadcast_in_dim3A_237 = vector.broadcast %jit3A_236 : f32 to vector<2000x128xf32>
      %select_n3A_238 = arith.select %lt3A_206, %mul3A_235, %broadcast_in_dim3A_237 : vector<2000x128xi1>, vector<2000x128xf32>
      %add3A_239 = arith.addf %add3A_199, %select_n3A_238 : vector<2000x128xf32>
      %prng_random_bits3A_240 = "tpu.prng_random_bits"() : () -> vector<2000x128xi32>
      %shift_right_logical3A_241 = arith.constant 9 : i32
      %shift_right_logical3A_242 = vector.broadcast %shift_right_logical3A_241 : i32 to vector<2000x128xi32>
      %shift_right_logical3A_243 = arith.shrui %prng_random_bits3A_240, %shift_right_logical3A_242 : vector<2000x128xi32>
      %lt3A_244 = arith.constant 6710887 : i32
      %lt3A_245 = vector.broadcast %lt3A_244 : i32 to vector<2000x128xi32>
      %lt3A_246 = arith.cmpi slt, %shift_right_logical3A_243, %lt3A_245 : vector<2000x128xi32>
      %slice3A_247 = vector.extract_strided_slice %div3A_41 {offsets = [0, 3], sizes = [2000, 1], strides = [1, 1]} : vector<2000x128xf32> to vector<2000x1xf32>
      %mul3A_248 = arith.constant 1.250000e+00 : f32
      %mul3A_249 = vector.broadcast %mul3A_248 : f32 to vector<2000x1xf32>
      %mul3A_250 = arith.mulf %slice3A_247, %mul3A_249 : vector<2000x1xf32>
      %mul3A_251 = arith.constant 7 : i32
      %mul3A_252 = arith.muli %scan3A_118, %mul3A_251 : i32
      %add3A_253 = arith.constant 3 : i32
      %add3A_254 = arith.addi %mul3A_252, %add3A_253 : i32
      %get3A_255 = arith.index_cast %add3A_254 : i32 to index
      %get3A_256 = arith.constant 0 : index
      %get3A_257 = vector.load %arg13[%get3A_255, %get3A_256] : memref<35x128xf32, #tpu.memory_space<vmem>>, vector<1x128xf32>
      %mul3A_258 = arith.constant 7 : i32
      %mul3A_259 = arith.muli %scan3A_118, %mul3A_258 : i32
      %add3A_260 = arith.constant 3 : i32
      %add3A_261 = arith.addi %mul3A_259, %add3A_260 : i32
      %get3A_262 = arith.index_cast %add3A_261 : i32 to index
      %get3A_263 = arith.constant 0 : index
      %get3A_264 = vector.load %arg20[%get3A_262, %get3A_263] : memref<40x128xf32, #tpu.memory_space<vmem>>, vector<1x128xf32>
      %mul3A_265 = vector.broadcast %mul3A_250 : vector<2000x1xf32> to vector<2000x128xf32>
      %mul3A_266 = vector.broadcast %get3A_257 : vector<1x128xf32> to vector<2000x128xf32>
      %mul3A_267 = arith.mulf %mul3A_265, %mul3A_266 : vector<2000x128xf32>
      %jit3A_268 = arith.constant 0.000000e+00 : f32
      %broadcast_in_dim3A_269 = vector.broadcast %jit3A_268 : f32 to vector<2000x128xf32>
      %select_n3A_270 = arith.select %lt3A_246, %mul3A_267, %broadcast_in_dim3A_269 : vector<2000x128xi1>, vector<2000x128xf32>
      %add3A_271 = arith.addf %add3A_231, %select_n3A_270 : vector<2000x128xf32>
      %mul3A_272 = vector.broadcast %mul3A_250 : vector<2000x1xf32> to vector<2000x128xf32>
      %mul3A_273 = vector.broadcast %get3A_264 : vector<1x128xf32> to vector<2000x128xf32>
      %mul3A_274 = arith.mulf %mul3A_272, %mul3A_273 : vector<2000x128xf32>
      %mul3A_275 = arith.mulf %mul3A_274, %mul3A_274 : vector<2000x128xf32>
      %jit3A_276 = arith.constant 0.000000e+00 : f32
      %broadcast_in_dim3A_277 = vector.broadcast %jit3A_276 : f32 to vector<2000x128xf32>
      %select_n3A_278 = arith.select %lt3A_246, %mul3A_275, %broadcast_in_dim3A_277 : vector<2000x128xi1>, vector<2000x128xf32>
      %add3A_279 = arith.addf %add3A_239, %select_n3A_278 : vector<2000x128xf32>
      %prng_random_bits3A_280 = "tpu.prng_random_bits"() : () -> vector<2000x128xi32>
      %shift_right_logical3A_281 = arith.constant 9 : i32
      %shift_right_logical3A_282 = vector.broadcast %shift_right_logical3A_281 : i32 to vector<2000x128xi32>
      %shift_right_logical3A_283 = arith.shrui %prng_random_bits3A_280, %shift_right_logical3A_282 : vector<2000x128xi32>
      %lt3A_284 = arith.constant 6710887 : i32
      %lt3A_285 = vector.broadcast %lt3A_284 : i32 to vector<2000x128xi32>
      %lt3A_286 = arith.cmpi slt, %shift_right_logical3A_283, %lt3A_285 : vector<2000x128xi32>
      %slice3A_287 = vector.extract_strided_slice %div3A_41 {offsets = [0, 4], sizes = [2000, 1], strides = [1, 1]} : vector<2000x128xf32> to vector<2000x1xf32>
      %mul3A_288 = arith.constant 1.250000e+00 : f32
      %mul3A_289 = vector.broadcast %mul3A_288 : f32 to vector<2000x1xf32>
      %mul3A_290 = arith.mulf %slice3A_287, %mul3A_289 : vector<2000x1xf32>
      %mul3A_291 = arith.constant 7 : i32
      %mul3A_292 = arith.muli %scan3A_118, %mul3A_291 : i32
      %add3A_293 = arith.constant 4 : i32
      %add3A_294 = arith.addi %mul3A_292, %add3A_293 : i32
      %get3A_295 = arith.index_cast %add3A_294 : i32 to index
      %get3A_296 = arith.constant 0 : index
      %get3A_297 = vector.load %arg13[%get3A_295, %get3A_296] : memref<35x128xf32, #tpu.memory_space<vmem>>, vector<1x128xf32>
      %mul3A_298 = arith.constant 7 : i32
      %mul3A_299 = arith.muli %scan3A_118, %mul3A_298 : i32
      %add3A_300 = arith.constant 4 : i32
      %add3A_301 = arith.addi %mul3A_299, %add3A_300 : i32
      %get3A_302 = arith.index_cast %add3A_301 : i32 to index
      %get3A_303 = arith.constant 0 : index
      %get3A_304 = vector.load %arg20[%get3A_302, %get3A_303] : memref<40x128xf32, #tpu.memory_space<vmem>>, vector<1x128xf32>
      %mul3A_305 = vector.broadcast %mul3A_290 : vector<2000x1xf32> to vector<2000x128xf32>
      %mul3A_306 = vector.broadcast %get3A_297 : vector<1x128xf32> to vector<2000x128xf32>
      %mul3A_307 = arith.mulf %mul3A_305, %mul3A_306 : vector<2000x128xf32>
      %jit3A_308 = arith.constant 0.000000e+00 : f32
      %broadcast_in_dim3A_309 = vector.broadcast %jit3A_308 : f32 to vector<2000x128xf32>
      %select_n3A_310 = arith.select %lt3A_286, %mul3A_307, %broadcast_in_dim3A_309 : vector<2000x128xi1>, vector<2000x128xf32>
      %add3A_311 = arith.addf %add3A_271, %select_n3A_310 : vector<2000x128xf32>
      %mul3A_312 = vector.broadcast %mul3A_290 : vector<2000x1xf32> to vector<2000x128xf32>
      %mul3A_313 = vector.broadcast %get3A_304 : vector<1x128xf32> to vector<2000x128xf32>
      %mul3A_314 = arith.mulf %mul3A_312, %mul3A_313 : vector<2000x128xf32>
      %mul3A_315 = arith.mulf %mul3A_314, %mul3A_314 : vector<2000x128xf32>
      %jit3A_316 = arith.constant 0.000000e+00 : f32
      %broadcast_in_dim3A_317 = vector.broadcast %jit3A_316 : f32 to vector<2000x128xf32>
      %select_n3A_318 = arith.select %lt3A_286, %mul3A_315, %broadcast_in_dim3A_317 : vector<2000x128xi1>, vector<2000x128xf32>
      %add3A_319 = arith.addf %add3A_279, %select_n3A_318 : vector<2000x128xf32>
      %prng_random_bits3A_320 = "tpu.prng_random_bits"() : () -> vector<2000x128xi32>
      %shift_right_logical3A_321 = arith.constant 9 : i32
      %shift_right_logical3A_322 = vector.broadcast %shift_right_logical3A_321 : i32 to vector<2000x128xi32>
      %shift_right_logical3A_323 = arith.shrui %prng_random_bits3A_320, %shift_right_logical3A_322 : vector<2000x128xi32>
      %lt3A_324 = arith.constant 6710887 : i32
      %lt3A_325 = vector.broadcast %lt3A_324 : i32 to vector<2000x128xi32>
      %lt3A_326 = arith.cmpi slt, %shift_right_logical3A_323, %lt3A_325 : vector<2000x128xi32>
      %slice3A_327 = vector.extract_strided_slice %div3A_41 {offsets = [0, 5], sizes = [2000, 1], strides = [1, 1]} : vector<2000x128xf32> to vector<2000x1xf32>
      %mul3A_328 = arith.constant 1.250000e+00 : f32
      %mul3A_329 = vector.broadcast %mul3A_328 : f32 to vector<2000x1xf32>
      %mul3A_330 = arith.mulf %slice3A_327, %mul3A_329 : vector<2000x1xf32>
      %mul3A_331 = arith.constant 7 : i32
      %mul3A_332 = arith.muli %scan3A_118, %mul3A_331 : i32
      %add3A_333 = arith.constant 5 : i32
      %add3A_334 = arith.addi %mul3A_332, %add3A_333 : i32
      %get3A_335 = arith.index_cast %add3A_334 : i32 to index
      %get3A_336 = arith.constant 0 : index
      %get3A_337 = vector.load %arg13[%get3A_335, %get3A_336] : memref<35x128xf32, #tpu.memory_space<vmem>>, vector<1x128xf32>
      %mul3A_338 = arith.constant 7 : i32
      %mul3A_339 = arith.muli %scan3A_118, %mul3A_338 : i32
      %add3A_340 = arith.constant 5 : i32
      %add3A_341 = arith.addi %mul3A_339, %add3A_340 : i32
      %get3A_342 = arith.index_cast %add3A_341 : i32 to index
      %get3A_343 = arith.constant 0 : index
      %get3A_344 = vector.load %arg20[%get3A_342, %get3A_343] : memref<40x128xf32, #tpu.memory_space<vmem>>, vector<1x128xf32>
      %mul3A_345 = vector.broadcast %mul3A_330 : vector<2000x1xf32> to vector<2000x128xf32>
      %mul3A_346 = vector.broadcast %get3A_337 : vector<1x128xf32> to vector<2000x128xf32>
      %mul3A_347 = arith.mulf %mul3A_345, %mul3A_346 : vector<2000x128xf32>
      %jit3A_348 = arith.constant 0.000000e+00 : f32
      %broadcast_in_dim3A_349 = vector.broadcast %jit3A_348 : f32 to vector<2000x128xf32>
      %select_n3A_350 = arith.select %lt3A_326, %mul3A_347, %broadcast_in_dim3A_349 : vector<2000x128xi1>, vector<2000x128xf32>
      %add3A_351 = arith.addf %add3A_311, %select_n3A_350 : vector<2000x128xf32>
      %mul3A_352 = vector.broadcast %mul3A_330 : vector<2000x1xf32> to vector<2000x128xf32>
      %mul3A_353 = vector.broadcast %get3A_344 : vector<1x128xf32> to vector<2000x128xf32>
      %mul3A_354 = arith.mulf %mul3A_352, %mul3A_353 : vector<2000x128xf32>
      %mul3A_355 = arith.mulf %mul3A_354, %mul3A_354 : vector<2000x128xf32>
      %jit3A_356 = arith.constant 0.000000e+00 : f32
      %broadcast_in_dim3A_357 = vector.broadcast %jit3A_356 : f32 to vector<2000x128xf32>
      %select_n3A_358 = arith.select %lt3A_326, %mul3A_355, %broadcast_in_dim3A_357 : vector<2000x128xi1>, vector<2000x128xf32>
      %add3A_359 = arith.addf %add3A_319, %select_n3A_358 : vector<2000x128xf32>
      %prng_random_bits3A_360 = "tpu.prng_random_bits"() : () -> vector<2000x128xi32>
      %shift_right_logical3A_361 = arith.constant 9 : i32
      %shift_right_logical3A_362 = vector.broadcast %shift_right_logical3A_361 : i32 to vector<2000x128xi32>
      %shift_right_logical3A_363 = arith.shrui %prng_random_bits3A_360, %shift_right_logical3A_362 : vector<2000x128xi32>
      %lt3A_364 = arith.constant 6710887 : i32
      %lt3A_365 = vector.broadcast %lt3A_364 : i32 to vector<2000x128xi32>
      %lt3A_366 = arith.cmpi slt, %shift_right_logical3A_363, %lt3A_365 : vector<2000x128xi32>
      %slice3A_367 = vector.extract_strided_slice %div3A_41 {offsets = [0, 6], sizes = [2000, 1], strides = [1, 1]} : vector<2000x128xf32> to vector<2000x1xf32>
      %mul3A_368 = arith.constant 1.250000e+00 : f32
      %mul3A_369 = vector.broadcast %mul3A_368 : f32 to vector<2000x1xf32>
      %mul3A_370 = arith.mulf %slice3A_367, %mul3A_369 : vector<2000x1xf32>
      %mul3A_371 = arith.constant 7 : i32
      %mul3A_372 = arith.muli %scan3A_118, %mul3A_371 : i32
      %add3A_373 = arith.constant 6 : i32
      %add3A_374 = arith.addi %mul3A_372, %add3A_373 : i32
      %get3A_375 = arith.index_cast %add3A_374 : i32 to index
      %get3A_376 = arith.constant 0 : index
      %get3A_377 = vector.load %arg13[%get3A_375, %get3A_376] : memref<35x128xf32, #tpu.memory_space<vmem>>, vector<1x128xf32>
      %mul3A_378 = arith.constant 7 : i32
      %mul3A_379 = arith.muli %scan3A_118, %mul3A_378 : i32
      %add3A_380 = arith.constant 6 : i32
      %add3A_381 = arith.addi %mul3A_379, %add3A_380 : i32
      %get3A_382 = arith.index_cast %add3A_381 : i32 to index
      %get3A_383 = arith.constant 0 : index
      %get3A_384 = vector.load %arg20[%get3A_382, %get3A_383] : memref<40x128xf32, #tpu.memory_space<vmem>>, vector<1x128xf32>
      %mul3A_385 = vector.broadcast %mul3A_370 : vector<2000x1xf32> to vector<2000x128xf32>
      %mul3A_386 = vector.broadcast %get3A_377 : vector<1x128xf32> to vector<2000x128xf32>
      %mul3A_387 = arith.mulf %mul3A_385, %mul3A_386 : vector<2000x128xf32>
      %jit3A_388 = arith.constant 0.000000e+00 : f32
      %broadcast_in_dim3A_389 = vector.broadcast %jit3A_388 : f32 to vector<2000x128xf32>
      %select_n3A_390 = arith.select %lt3A_366, %mul3A_387, %broadcast_in_dim3A_389 : vector<2000x128xi1>, vector<2000x128xf32>
      %add3A_391 = arith.addf %add3A_351, %select_n3A_390 : vector<2000x128xf32>
      %mul3A_392 = vector.broadcast %mul3A_370 : vector<2000x1xf32> to vector<2000x128xf32>
      %mul3A_393 = vector.broadcast %get3A_384 : vector<1x128xf32> to vector<2000x128xf32>
      %mul3A_394 = arith.mulf %mul3A_392, %mul3A_393 : vector<2000x128xf32>
      %mul3A_395 = arith.mulf %mul3A_394, %mul3A_394 : vector<2000x128xf32>
      %jit3A_396 = arith.constant 0.000000e+00 : f32
      %broadcast_in_dim3A_397 = vector.broadcast %jit3A_396 : f32 to vector<2000x128xf32>
      %select_n3A_398 = arith.select %lt3A_366, %mul3A_395, %broadcast_in_dim3A_397 : vector<2000x128xi1>, vector<2000x128xf32>
      %add3A_399 = arith.addf %add3A_359, %select_n3A_398 : vector<2000x128xf32>
      %prng_random_bits3A_400 = "tpu.prng_random_bits"() : () -> vector<2000x128xi32>
      %shift_right_logical3A_401 = arith.constant 9 : i32
      %shift_right_logical3A_402 = vector.broadcast %shift_right_logical3A_401 : i32 to vector<2000x128xi32>
      %shift_right_logical3A_403 = arith.shrui %prng_random_bits3A_400, %shift_right_logical3A_402 : vector<2000x128xi32>
      %or3A_404 = arith.constant 1065353216 : i32
      %or3A_405 = vector.broadcast %or3A_404 : i32 to vector<2000x128xi32>
      %or3A_406 = arith.ori %shift_right_logical3A_403, %or3A_405 : vector<2000x128xi32>
      %bitcast_convert_type3A_407 = tpu.bitcast %or3A_406 : vector<2000x128xi32> -> vector<2000x128xf32>
      %sub3A_408 = arith.constant 1.000000e+00 : f32
      %sub3A_409 = vector.broadcast %sub3A_408 : f32 to vector<2000x128xf32>
      %sub3A_410 = arith.subf %bitcast_convert_type3A_407, %sub3A_409 : vector<2000x128xf32>
      %mul3A_411 = arith.constant 2.000000e+00 : f32
      %mul3A_412 = vector.broadcast %mul3A_411 : f32 to vector<2000x128xf32>
      %mul3A_413 = arith.mulf %sub3A_410, %mul3A_412 : vector<2000x128xf32>
      %add3A_414 = arith.constant -0.99999994 : f32
      %add3A_415 = vector.broadcast %add3A_414 : f32 to vector<2000x128xf32>
      %add3A_416 = arith.addf %mul3A_413, %add3A_415 : vector<2000x128xf32>
      %max3A_417 = arith.constant -0.99999994 : f32
      %max3A_418 = vector.broadcast %max3A_417 : f32 to vector<2000x128xf32>
      %max3A_419 = arith.maximumf %add3A_416, %max3A_418 : vector<2000x128xf32>
      %erf_inv3A = arith.constant 0.000000e+00 : f32
      %erf_inv3A_420 = vector.broadcast %erf_inv3A : f32 to vector<2000x128xf32>
      %erf_inv3A_421 = arith.subf %erf_inv3A_420, %max3A_419 : vector<2000x128xf32>
      %erf_inv3A_422 = arith.mulf %max3A_419, %erf_inv3A_421 : vector<2000x128xf32>
      %erf_inv3A_423 = math.log1p %erf_inv3A_422 : vector<2000x128xf32>
      %erf_inv3A_424 = arith.constant 0.000000e+00 : f32
      %erf_inv3A_425 = vector.broadcast %erf_inv3A_424 : f32 to vector<2000x128xf32>
      %erf_inv3A_426 = arith.subf %erf_inv3A_425, %erf_inv3A_423 : vector<2000x128xf32>
      %erf_inv3A_427 = arith.constant 5.000000e+00 : f32
      %erf_inv3A_428 = vector.broadcast %erf_inv3A_427 : f32 to vector<2000x128xf32>
      %erf_inv3A_429 = arith.cmpf olt, %erf_inv3A_426, %erf_inv3A_428 : vector<2000x128xf32>
      %erf_inv3A_430 = arith.constant 2.500000e+00 : f32
      %erf_inv3A_431 = vector.broadcast %erf_inv3A_430 : f32 to vector<2000x128xf32>
      %erf_inv3A_432 = arith.subf %erf_inv3A_426, %erf_inv3A_431 : vector<2000x128xf32>
      %erf_inv3A_433 = math.sqrt %erf_inv3A_426 : vector<2000x128xf32>
      %erf_inv3A_434 = arith.constant 3.000000e+00 : f32
      %erf_inv3A_435 = vector.broadcast %erf_inv3A_434 : f32 to vector<2000x128xf32>
      %erf_inv3A_436 = arith.subf %erf_inv3A_433, %erf_inv3A_435 : vector<2000x128xf32>
      %erf_inv3A_437 = arith.select %erf_inv3A_429, %erf_inv3A_432, %erf_inv3A_436 : vector<2000x128xi1>, vector<2000x128xf32>
      %erf_inv3A_438 = arith.constant 2.81022636E-8 : f32
      %erf_inv3A_439 = arith.constant -2.00214257E-4 : f32
      %erf_inv3A_440 = vector.broadcast %erf_inv3A_438 : f32 to vector<2000x128xf32>
      %erf_inv3A_441 = vector.broadcast %erf_inv3A_439 : f32 to vector<2000x128xf32>
      %erf_inv3A_442 = arith.select %erf_inv3A_429, %erf_inv3A_440, %erf_inv3A_441 : vector<2000x128xi1>, vector<2000x128xf32>
      %erf_inv3A_443 = arith.constant 3.43273939E-7 : f32
      %erf_inv3A_444 = arith.constant 1.00950558E-4 : f32
      %erf_inv3A_445 = vector.broadcast %erf_inv3A_443 : f32 to vector<2000x128xf32>
      %erf_inv3A_446 = vector.broadcast %erf_inv3A_444 : f32 to vector<2000x128xf32>
      %erf_inv3A_447 = arith.select %erf_inv3A_429, %erf_inv3A_445, %erf_inv3A_446 : vector<2000x128xi1>, vector<2000x128xf32>
      %erf_inv3A_448 = arith.mulf %erf_inv3A_442, %erf_inv3A_437 : vector<2000x128xf32>
      %erf_inv3A_449 = arith.addf %erf_inv3A_447, %erf_inv3A_448 : vector<2000x128xf32>
      %erf_inv3A_450 = arith.constant -3.5233877E-6 : f32
      %erf_inv3A_451 = arith.constant 0.00134934322 : f32
      %erf_inv3A_452 = vector.broadcast %erf_inv3A_450 : f32 to vector<2000x128xf32>
      %erf_inv3A_453 = vector.broadcast %erf_inv3A_451 : f32 to vector<2000x128xf32>
      %erf_inv3A_454 = arith.select %erf_inv3A_429, %erf_inv3A_452, %erf_inv3A_453 : vector<2000x128xi1>, vector<2000x128xf32>
      %erf_inv3A_455 = arith.mulf %erf_inv3A_449, %erf_inv3A_437 : vector<2000x128xf32>
      %erf_inv3A_456 = arith.addf %erf_inv3A_454, %erf_inv3A_455 : vector<2000x128xf32>
      %erf_inv3A_457 = arith.constant -4.39150654E-6 : f32
      %erf_inv3A_458 = arith.constant -0.00367342844 : f32
      %erf_inv3A_459 = vector.broadcast %erf_inv3A_457 : f32 to vector<2000x128xf32>
      %erf_inv3A_460 = vector.broadcast %erf_inv3A_458 : f32 to vector<2000x128xf32>
      %erf_inv3A_461 = arith.select %erf_inv3A_429, %erf_inv3A_459, %erf_inv3A_460 : vector<2000x128xi1>, vector<2000x128xf32>
      %erf_inv3A_462 = arith.mulf %erf_inv3A_456, %erf_inv3A_437 : vector<2000x128xf32>
      %erf_inv3A_463 = arith.addf %erf_inv3A_461, %erf_inv3A_462 : vector<2000x128xf32>
      %erf_inv3A_464 = arith.constant 2.1858087E-4 : f32
      %erf_inv3A_465 = arith.constant 0.00573950773 : f32
      %erf_inv3A_466 = vector.broadcast %erf_inv3A_464 : f32 to vector<2000x128xf32>
      %erf_inv3A_467 = vector.broadcast %erf_inv3A_465 : f32 to vector<2000x128xf32>
      %erf_inv3A_468 = arith.select %erf_inv3A_429, %erf_inv3A_466, %erf_inv3A_467 : vector<2000x128xi1>, vector<2000x128xf32>
      %erf_inv3A_469 = arith.mulf %erf_inv3A_463, %erf_inv3A_437 : vector<2000x128xf32>
      %erf_inv3A_470 = arith.addf %erf_inv3A_468, %erf_inv3A_469 : vector<2000x128xf32>
      %erf_inv3A_471 = arith.constant -0.00125372503 : f32
      %erf_inv3A_472 = arith.constant -0.0076224613 : f32
      %erf_inv3A_473 = vector.broadcast %erf_inv3A_471 : f32 to vector<2000x128xf32>
      %erf_inv3A_474 = vector.broadcast %erf_inv3A_472 : f32 to vector<2000x128xf32>
      %erf_inv3A_475 = arith.select %erf_inv3A_429, %erf_inv3A_473, %erf_inv3A_474 : vector<2000x128xi1>, vector<2000x128xf32>
      %erf_inv3A_476 = arith.mulf %erf_inv3A_470, %erf_inv3A_437 : vector<2000x128xf32>
      %erf_inv3A_477 = arith.addf %erf_inv3A_475, %erf_inv3A_476 : vector<2000x128xf32>
      %erf_inv3A_478 = arith.constant -0.00417768164 : f32
      %erf_inv3A_479 = arith.constant 0.00943887047 : f32
      %erf_inv3A_480 = vector.broadcast %erf_inv3A_478 : f32 to vector<2000x128xf32>
      %erf_inv3A_481 = vector.broadcast %erf_inv3A_479 : f32 to vector<2000x128xf32>
      %erf_inv3A_482 = arith.select %erf_inv3A_429, %erf_inv3A_480, %erf_inv3A_481 : vector<2000x128xi1>, vector<2000x128xf32>
      %erf_inv3A_483 = arith.mulf %erf_inv3A_477, %erf_inv3A_437 : vector<2000x128xf32>
      %erf_inv3A_484 = arith.addf %erf_inv3A_482, %erf_inv3A_483 : vector<2000x128xf32>
      %erf_inv3A_485 = arith.constant 0.246640727 : f32
      %erf_inv3A_486 = arith.constant 1.00167406 : f32
      %erf_inv3A_487 = vector.broadcast %erf_inv3A_485 : f32 to vector<2000x128xf32>
      %erf_inv3A_488 = vector.broadcast %erf_inv3A_486 : f32 to vector<2000x128xf32>
      %erf_inv3A_489 = arith.select %erf_inv3A_429, %erf_inv3A_487, %erf_inv3A_488 : vector<2000x128xi1>, vector<2000x128xf32>
      %erf_inv3A_490 = arith.mulf %erf_inv3A_484, %erf_inv3A_437 : vector<2000x128xf32>
      %erf_inv3A_491 = arith.addf %erf_inv3A_489, %erf_inv3A_490 : vector<2000x128xf32>
      %erf_inv3A_492 = arith.constant 1.50140941 : f32
      %erf_inv3A_493 = arith.constant 2.83297682 : f32
      %erf_inv3A_494 = vector.broadcast %erf_inv3A_492 : f32 to vector<2000x128xf32>
      %erf_inv3A_495 = vector.broadcast %erf_inv3A_493 : f32 to vector<2000x128xf32>
      %erf_inv3A_496 = arith.select %erf_inv3A_429, %erf_inv3A_494, %erf_inv3A_495 : vector<2000x128xi1>, vector<2000x128xf32>
      %erf_inv3A_497 = arith.mulf %erf_inv3A_491, %erf_inv3A_437 : vector<2000x128xf32>
      %erf_inv3A_498 = arith.addf %erf_inv3A_496, %erf_inv3A_497 : vector<2000x128xf32>
      %erf_inv3A_499 = math.absf %max3A_419 : vector<2000x128xf32>
      %erf_inv3A_500 = arith.constant 1.000000e+00 : f32
      %erf_inv3A_501 = vector.broadcast %erf_inv3A_500 : f32 to vector<2000x128xf32>
      %erf_inv3A_502 = arith.cmpf oeq, %erf_inv3A_499, %erf_inv3A_501 : vector<2000x128xf32>
      %erf_inv3A_503 = arith.constant 0x7F800000 : f32
      %erf_inv3A_504 = vector.broadcast %erf_inv3A_503 : f32 to vector<2000x128xf32>
      %erf_inv3A_505 = arith.mulf %erf_inv3A_504, %max3A_419 : vector<2000x128xf32>
      %erf_inv3A_506 = arith.mulf %erf_inv3A_498, %max3A_419 : vector<2000x128xf32>
      %erf_inv3A_507 = arith.select %erf_inv3A_502, %erf_inv3A_505, %erf_inv3A_506 : vector<2000x128xi1>, vector<2000x128xf32>
      %mul3A_508 = arith.constant 1.41421354 : f32
      %mul3A_509 = vector.broadcast %mul3A_508 : f32 to vector<2000x128xf32>
      %mul3A_510 = arith.mulf %mul3A_509, %erf_inv3A_507 : vector<2000x128xf32>
      %sqrt3A = math.sqrt %add3A_399 : vector<2000x128xf32>
      %mul3A_511 = arith.mulf %sqrt3A, %mul3A_510 : vector<2000x128xf32>
      %add3A_512 = arith.addf %add3A_391, %mul3A_511 : vector<2000x128xf32>
      %mul3A_513 = arith.mulf %add3A_512, %add3A_512 : vector<2000x128xf32>
      %reduce_sum3A_514 = arith.constant dense<0.000000e+00> : vector<2000xf32>
      %reduce_sum3A_515 = vector.multi_reduction <add>, %mul3A_513, %reduce_sum3A_514 [1] : vector<2000x128xf32> to vector<2000xf32>
      %broadcast_in_dim3A_516 = vector.shape_cast %reduce_sum3A_515 : vector<2000xf32> to vector<2000x1xf32>
      %mul3A_517 = arith.mulf %add3A_512, %get3A_46 : vector<2000x128xf32>
      %reduce_sum3A_518 = arith.constant dense<0.000000e+00> : vector<2000xf32>
      %reduce_sum3A_519 = vector.multi_reduction <add>, %mul3A_517, %reduce_sum3A_518 [1] : vector<2000x128xf32> to vector<2000xf32>
      %broadcast_in_dim3A_520 = vector.shape_cast %reduce_sum3A_519 : vector<2000xf32> to vector<2000x1xf32>
      %add3A_521 = arith.addf %broadcast_in_dim3A_516, %broadcast_in_dim3A_70 : vector<2000x1xf32>
      %mul3A_522 = arith.constant 2.000000e+00 : f32
      %mul3A_523 = vector.broadcast %mul3A_522 : f32 to vector<2000x1xf32>
      %mul3A_524 = arith.mulf %mul3A_523, %broadcast_in_dim3A_520 : vector<2000x1xf32>
      %sub3A_525 = arith.subf %add3A_521, %mul3A_524 : vector<2000x1xf32>
      %mul3A_526 = arith.constant 7.812500e-03 : f32
      %mul3A_527 = vector.broadcast %mul3A_526 : f32 to vector<2000x1xf32>
      %mul3A_528 = arith.mulf %sub3A_525, %mul3A_527 : vector<2000x1xf32>
      %mul3A_529 = arith.constant 5 : i32
      %mul3A_530 = arith.muli %mul3A_529, %scan3A_118 : i32
      %add3A_531 = arith.constant 0 : i32
      %add3A_532 = arith.addi %mul3A_530, %add3A_531 : i32
      %eq3A_533 = vector.broadcast %add3A_532 : i32 to vector<1x128xi32>
      %eq3A_534 = arith.cmpi eq, %iota3A, %eq3A_533 : vector<1x128xi32>
      %jit3A_535 = arith.constant 0.000000e+00 : f32
      %broadcast_in_dim3A_536 = vector.shape_cast %eq3A_534 : vector<1x128xi1> to vector<1x128xi1>
      %broadcast_in_dim3A_537 = vector.broadcast %broadcast_in_dim3A_536 : vector<1x128xi1> to vector<2000x128xi1>
      %broadcast_in_dim3A_538 = vector.shape_cast %mul3A_528 : vector<2000x1xf32> to vector<2000x1xf32>
      %broadcast_in_dim3A_539 = vector.broadcast %broadcast_in_dim3A_538 : vector<2000x1xf32> to vector<2000x128xf32>
      %broadcast_in_dim3A_540 = vector.broadcast %jit3A_535 : f32 to vector<2000x128xf32>
      %select_n3A_541 = arith.select %broadcast_in_dim3A_537, %broadcast_in_dim3A_539, %broadcast_in_dim3A_540 : vector<2000x128xi1>, vector<2000x128xf32>
      %add3A_542 = arith.addf %scan3A_119, %select_n3A_541 : vector<2000x128xf32>
      %mul3A_543 = arith.mulf %add3A_512, %get3A_51 : vector<2000x128xf32>
      %reduce_sum3A_544 = arith.constant dense<0.000000e+00> : vector<2000xf32>
      %reduce_sum3A_545 = vector.multi_reduction <add>, %mul3A_543, %reduce_sum3A_544 [1] : vector<2000x128xf32> to vector<2000xf32>
      %broadcast_in_dim3A_546 = vector.shape_cast %reduce_sum3A_545 : vector<2000xf32> to vector<2000x1xf32>
      %add3A_547 = arith.addf %broadcast_in_dim3A_516, %broadcast_in_dim3A_74 : vector<2000x1xf32>
      %mul3A_548 = arith.constant 2.000000e+00 : f32
      %mul3A_549 = vector.broadcast %mul3A_548 : f32 to vector<2000x1xf32>
      %mul3A_550 = arith.mulf %mul3A_549, %broadcast_in_dim3A_546 : vector<2000x1xf32>
      %sub3A_551 = arith.subf %add3A_547, %mul3A_550 : vector<2000x1xf32>
      %mul3A_552 = arith.constant 7.812500e-03 : f32
      %mul3A_553 = vector.broadcast %mul3A_552 : f32 to vector<2000x1xf32>
      %mul3A_554 = arith.mulf %sub3A_551, %mul3A_553 : vector<2000x1xf32>
      %mul3A_555 = arith.constant 5 : i32
      %mul3A_556 = arith.muli %mul3A_555, %scan3A_118 : i32
      %add3A_557 = arith.constant 1 : i32
      %add3A_558 = arith.addi %mul3A_556, %add3A_557 : i32
      %eq3A_559 = vector.broadcast %add3A_558 : i32 to vector<1x128xi32>
      %eq3A_560 = arith.cmpi eq, %iota3A, %eq3A_559 : vector<1x128xi32>
      %jit3A_561 = arith.constant 0.000000e+00 : f32
      %broadcast_in_dim3A_562 = vector.shape_cast %eq3A_560 : vector<1x128xi1> to vector<1x128xi1>
      %broadcast_in_dim3A_563 = vector.broadcast %broadcast_in_dim3A_562 : vector<1x128xi1> to vector<2000x128xi1>
      %broadcast_in_dim3A_564 = vector.shape_cast %mul3A_554 : vector<2000x1xf32> to vector<2000x1xf32>
      %broadcast_in_dim3A_565 = vector.broadcast %broadcast_in_dim3A_564 : vector<2000x1xf32> to vector<2000x128xf32>
      %broadcast_in_dim3A_566 = vector.broadcast %jit3A_561 : f32 to vector<2000x128xf32>
      %select_n3A_567 = arith.select %broadcast_in_dim3A_563, %broadcast_in_dim3A_565, %broadcast_in_dim3A_566 : vector<2000x128xi1>, vector<2000x128xf32>
      %add3A_568 = arith.addf %add3A_542, %select_n3A_567 : vector<2000x128xf32>
      %mul3A_569 = arith.mulf %add3A_512, %get3A_56 : vector<2000x128xf32>
      %reduce_sum3A_570 = arith.constant dense<0.000000e+00> : vector<2000xf32>
      %reduce_sum3A_571 = vector.multi_reduction <add>, %mul3A_569, %reduce_sum3A_570 [1] : vector<2000x128xf32> to vector<2000xf32>
      %broadcast_in_dim3A_572 = vector.shape_cast %reduce_sum3A_571 : vector<2000xf32> to vector<2000x1xf32>
      %add3A_573 = arith.addf %broadcast_in_dim3A_516, %broadcast_in_dim3A_78 : vector<2000x1xf32>
      %mul3A_574 = arith.constant 2.000000e+00 : f32
      %mul3A_575 = vector.broadcast %mul3A_574 : f32 to vector<2000x1xf32>
      %mul3A_576 = arith.mulf %mul3A_575, %broadcast_in_dim3A_572 : vector<2000x1xf32>
      %sub3A_577 = arith.subf %add3A_573, %mul3A_576 : vector<2000x1xf32>
      %mul3A_578 = arith.constant 7.812500e-03 : f32
      %mul3A_579 = vector.broadcast %mul3A_578 : f32 to vector<2000x1xf32>
      %mul3A_580 = arith.mulf %sub3A_577, %mul3A_579 : vector<2000x1xf32>
      %mul3A_581 = arith.constant 5 : i32
      %mul3A_582 = arith.muli %mul3A_581, %scan3A_118 : i32
      %add3A_583 = arith.constant 2 : i32
      %add3A_584 = arith.addi %mul3A_582, %add3A_583 : i32
      %eq3A_585 = vector.broadcast %add3A_584 : i32 to vector<1x128xi32>
      %eq3A_586 = arith.cmpi eq, %iota3A, %eq3A_585 : vector<1x128xi32>
      %jit3A_587 = arith.constant 0.000000e+00 : f32
      %broadcast_in_dim3A_588 = vector.shape_cast %eq3A_586 : vector<1x128xi1> to vector<1x128xi1>
      %broadcast_in_dim3A_589 = vector.broadcast %broadcast_in_dim3A_588 : vector<1x128xi1> to vector<2000x128xi1>
      %broadcast_in_dim3A_590 = vector.shape_cast %mul3A_580 : vector<2000x1xf32> to vector<2000x1xf32>
      %broadcast_in_dim3A_591 = vector.broadcast %broadcast_in_dim3A_590 : vector<2000x1xf32> to vector<2000x128xf32>
      %broadcast_in_dim3A_592 = vector.broadcast %jit3A_587 : f32 to vector<2000x128xf32>
      %select_n3A_593 = arith.select %broadcast_in_dim3A_589, %broadcast_in_dim3A_591, %broadcast_in_dim3A_592 : vector<2000x128xi1>, vector<2000x128xf32>
      %add3A_594 = arith.addf %add3A_568, %select_n3A_593 : vector<2000x128xf32>
      %mul3A_595 = arith.mulf %add3A_512, %get3A_61 : vector<2000x128xf32>
      %reduce_sum3A_596 = arith.constant dense<0.000000e+00> : vector<2000xf32>
      %reduce_sum3A_597 = vector.multi_reduction <add>, %mul3A_595, %reduce_sum3A_596 [1] : vector<2000x128xf32> to vector<2000xf32>
      %broadcast_in_dim3A_598 = vector.shape_cast %reduce_sum3A_597 : vector<2000xf32> to vector<2000x1xf32>
      %add3A_599 = arith.addf %broadcast_in_dim3A_516, %broadcast_in_dim3A_82 : vector<2000x1xf32>
      %mul3A_600 = arith.constant 2.000000e+00 : f32
      %mul3A_601 = vector.broadcast %mul3A_600 : f32 to vector<2000x1xf32>
      %mul3A_602 = arith.mulf %mul3A_601, %broadcast_in_dim3A_598 : vector<2000x1xf32>
      %sub3A_603 = arith.subf %add3A_599, %mul3A_602 : vector<2000x1xf32>
      %mul3A_604 = arith.constant 7.812500e-03 : f32
      %mul3A_605 = vector.broadcast %mul3A_604 : f32 to vector<2000x1xf32>
      %mul3A_606 = arith.mulf %sub3A_603, %mul3A_605 : vector<2000x1xf32>
      %mul3A_607 = arith.constant 5 : i32
      %mul3A_608 = arith.muli %mul3A_607, %scan3A_118 : i32
      %add3A_609 = arith.constant 3 : i32
      %add3A_610 = arith.addi %mul3A_608, %add3A_609 : i32
      %eq3A_611 = vector.broadcast %add3A_610 : i32 to vector<1x128xi32>
      %eq3A_612 = arith.cmpi eq, %iota3A, %eq3A_611 : vector<1x128xi32>
      %jit3A_613 = arith.constant 0.000000e+00 : f32
      %broadcast_in_dim3A_614 = vector.shape_cast %eq3A_612 : vector<1x128xi1> to vector<1x128xi1>
      %broadcast_in_dim3A_615 = vector.broadcast %broadcast_in_dim3A_614 : vector<1x128xi1> to vector<2000x128xi1>
      %broadcast_in_dim3A_616 = vector.shape_cast %mul3A_606 : vector<2000x1xf32> to vector<2000x1xf32>
      %broadcast_in_dim3A_617 = vector.broadcast %broadcast_in_dim3A_616 : vector<2000x1xf32> to vector<2000x128xf32>
      %broadcast_in_dim3A_618 = vector.broadcast %jit3A_613 : f32 to vector<2000x128xf32>
      %select_n3A_619 = arith.select %broadcast_in_dim3A_615, %broadcast_in_dim3A_617, %broadcast_in_dim3A_618 : vector<2000x128xi1>, vector<2000x128xf32>
      %add3A_620 = arith.addf %add3A_594, %select_n3A_619 : vector<2000x128xf32>
      %mul3A_621 = arith.mulf %add3A_512, %get3A_66 : vector<2000x128xf32>
      %reduce_sum3A_622 = arith.constant dense<0.000000e+00> : vector<2000xf32>
      %reduce_sum3A_623 = vector.multi_reduction <add>, %mul3A_621, %reduce_sum3A_622 [1] : vector<2000x128xf32> to vector<2000xf32>
      %broadcast_in_dim3A_624 = vector.shape_cast %reduce_sum3A_623 : vector<2000xf32> to vector<2000x1xf32>
      %add3A_625 = arith.addf %broadcast_in_dim3A_516, %broadcast_in_dim3A_86 : vector<2000x1xf32>
      %mul3A_626 = arith.constant 2.000000e+00 : f32
      %mul3A_627 = vector.broadcast %mul3A_626 : f32 to vector<2000x1xf32>
      %mul3A_628 = arith.mulf %mul3A_627, %broadcast_in_dim3A_624 : vector<2000x1xf32>
      %sub3A_629 = arith.subf %add3A_625, %mul3A_628 : vector<2000x1xf32>
      %mul3A_630 = arith.constant 7.812500e-03 : f32
      %mul3A_631 = vector.broadcast %mul3A_630 : f32 to vector<2000x1xf32>
      %mul3A_632 = arith.mulf %sub3A_629, %mul3A_631 : vector<2000x1xf32>
      %mul3A_633 = arith.constant 5 : i32
      %mul3A_634 = arith.muli %mul3A_633, %scan3A_118 : i32
      %add3A_635 = arith.constant 4 : i32
      %add3A_636 = arith.addi %mul3A_634, %add3A_635 : i32
      %eq3A_637 = vector.broadcast %add3A_636 : i32 to vector<1x128xi32>
      %eq3A_638 = arith.cmpi eq, %iota3A, %eq3A_637 : vector<1x128xi32>
      %jit3A_639 = arith.constant 0.000000e+00 : f32
      %broadcast_in_dim3A_640 = vector.shape_cast %eq3A_638 : vector<1x128xi1> to vector<1x128xi1>
      %broadcast_in_dim3A_641 = vector.broadcast %broadcast_in_dim3A_640 : vector<1x128xi1> to vector<2000x128xi1>
      %broadcast_in_dim3A_642 = vector.shape_cast %mul3A_632 : vector<2000x1xf32> to vector<2000x1xf32>
      %broadcast_in_dim3A_643 = vector.broadcast %broadcast_in_dim3A_642 : vector<2000x1xf32> to vector<2000x128xf32>
      %broadcast_in_dim3A_644 = vector.broadcast %jit3A_639 : f32 to vector<2000x128xf32>
      %select_n3A_645 = arith.select %broadcast_in_dim3A_641, %broadcast_in_dim3A_643, %broadcast_in_dim3A_644 : vector<2000x128xi1>, vector<2000x128xf32>
      %add3A_646 = arith.addf %add3A_620, %select_n3A_645 : vector<2000x128xf32>
      scf.yield %add3A_646 : vector<2000x128xf32>
    }
    %scan3A_93 = arith.constant 5 : i32
    %get3A_94 = arith.constant 0 : index
    %get3A_95 = arith.constant 0 : index
    %get3A_96 = vector.load %arg15[%get3A_94, %get3A_95] : memref<128x128xf32, #tpu.memory_space<vmem>>, vector<128x128xf32>
    %dot_general3A = arith.constant dense<0.000000e+00> : vector<2000x128xf32>
    %dot_general3A_97 = tpu.matmul %scan3A_92, %get3A_96, %dot_general3A {dimension_numbers = #tpu.dot_dimension_numbers<[1], [0], [0], [1], [0, 0, 1, 1], [], []>, transpose_lhs_hint = false} : vector<2000x128xf32>, vector<128x128xf32>, vector<2000x128xf32> -> vector<2000x128xf32>
    %get3A_98 = arith.constant 0 : index
    %get3A_99 = arith.constant 0 : index
    %get3A_100 = vector.load %arg16[%get3A_98, %get3A_99] : memref<1x128xf32, #tpu.memory_space<vmem>>, vector<1x128xf32>
    %add3A_101 = vector.broadcast %get3A_100 : vector<1x128xf32> to vector<2000x128xf32>
    %add3A_102 = arith.addf %dot_general3A_97, %add3A_101 : vector<2000x128xf32>
    %reduce_min3A = arith.constant dense<0x7F800000> : vector<2000xf32>
    %reduce_min3A_103 = vector.multi_reduction <minimumf>, %add3A_102, %reduce_min3A [1] : vector<2000x128xf32> to vector<2000xf32>
    %broadcast_in_dim3A_104 = vector.shape_cast %reduce_min3A_103 : vector<2000xf32> to vector<2000x1xf32>
    %get3A_105 = arith.constant 0 : index
    %get3A_106 = arith.constant 0 : index
    %get3A_107 = memref.load %arg18[%get3A_105, %get3A_106] : memref<1x1xf32, #tpu.memory_space<smem>>
    %reduce_sum3A_108 = vector.shape_cast %broadcast_in_dim3A_104 : vector<2000x1xf32> to vector<1x2000x1xf32>
    %reduce_sum3A_109 = arith.constant dense<0.000000e+00> : vector<1xf32>
    %reduce_sum3A_110 = vector.multi_reduction <add>, %reduce_sum3A_108, %reduce_sum3A_109 [1, 2] : vector<1x2000x1xf32> to vector<1xf32>
    %reduce_sum3A_111 = vector.shape_cast %reduce_sum3A_110 : vector<1xf32> to vector<1x1x1xf32>
    %reduce_sum3A_112 = vector.extract %reduce_sum3A_111[0, 0, 0] : f32 from vector<1x1x1xf32>
    %mul3A_113 = arith.constant 0.333333343 : f32
    %mul3A_114 = arith.mulf %reduce_sum3A_112, %mul3A_113 : f32
    %add3A_115 = arith.addf %get3A_107, %mul3A_114 : f32
    %swap3A = arith.constant 0 : index
    %swap3A_116 = arith.constant 0 : index
    %swap3A_117 = memref.load %arg18[%swap3A, %swap3A_116] : memref<1x1xf32, #tpu.memory_space<smem>>
    memref.store %add3A_115, %arg18[%swap3A, %swap3A_116] : memref<1x1xf32, #tpu.memory_space<smem>>
    return
  }
  func.func @transform_0(%arg0: i32, %arg1: i32) -> (i32, i32) {
    %c0_i32 = arith.constant 0 : i32
    %c0_i32_0 = arith.constant 0 : i32
    return %arg0, %c0_i32 : i32, i32
  }
  func.func @transform_1(%arg0: i32, %arg1: i32) -> (i32, i32, i32) {
    %c0_i32 = arith.constant 0 : i32
    %c0_i32_0 = arith.constant 0 : i32
    %c0_i32_1 = arith.constant 0 : i32
    return %c0_i32, %arg0, %c0_i32_0 : i32, i32, i32
  }
  func.func @transform_2(%arg0: i32, %arg1: i32) -> (i32, i32, i32) {
    %c1_i32 = arith.constant 1 : i32
    %c0_i32 = arith.constant 0 : i32
    %c0_i32_0 = arith.constant 0 : i32
    return %c1_i32, %arg0, %c0_i32 : i32, i32, i32
  }
  func.func @transform_3(%arg0: i32, %arg1: i32) -> (i32, i32, i32) {
    %c0_i32 = arith.constant 0 : i32
    %c0_i32_0 = arith.constant 0 : i32
    %c0_i32_1 = arith.constant 0 : i32
    return %c0_i32, %arg0, %c0_i32_0 : i32, i32, i32
  }
  func.func @transform_4(%arg0: i32, %arg1: i32) -> (i32, i32, i32) {
    %c0_i32 = arith.constant 0 : i32
    %c0_i32_0 = arith.constant 0 : i32
    %c0_i32_1 = arith.constant 0 : i32
    return %arg0, %c0_i32, %c0_i32_0 : i32, i32, i32
  }
  func.func @transform_5(%arg0: i32, %arg1: i32) -> (i32, i32) {
    %c0_i32 = arith.constant 0 : i32
    %c0_i32_0 = arith.constant 0 : i32
    %c0_i32_1 = arith.constant 0 : i32
    return %c0_i32, %c0_i32_0 : i32, i32
  }
  func.func @transform_6(%arg0: i32, %arg1: i32) -> (i32, i32) {
    %c0_i32 = arith.constant 0 : i32
    %c0_i32_0 = arith.constant 0 : i32
    %c0_i32_1 = arith.constant 0 : i32
    return %c0_i32, %c0_i32_0 : i32, i32
  }
  func.func @transform_7(%arg0: i32, %arg1: i32) -> (i32, i32) {
    %c0_i32 = arith.constant 0 : i32
    %c0_i32_0 = arith.constant 0 : i32
    %c0_i32_1 = arith.constant 0 : i32
    return %c0_i32, %c0_i32_0 : i32, i32
  }
  func.func @transform_8(%arg0: i32, %arg1: i32) -> (i32, i32) {
    %c0_i32 = arith.constant 0 : i32
    %c0_i32_0 = arith.constant 0 : i32
    %c0_i32_1 = arith.constant 0 : i32
    return %c0_i32, %c0_i32_0 : i32, i32
  }
  func.func @transform_9(%arg0: i32, %arg1: i32) -> (i32, i32) {
    %c0_i32 = arith.constant 0 : i32
    %c0_i32_0 = arith.constant 0 : i32
    %c0_i32_1 = arith.constant 0 : i32
    return %c0_i32, %c0_i32_0 : i32, i32
  }
  func.func @transform_10(%arg0: i32, %arg1: i32) -> (i32, i32) {
    %c0_i32 = arith.constant 0 : i32
    %c0_i32_0 = arith.constant 0 : i32
    %c0_i32_1 = arith.constant 0 : i32
    return %c0_i32, %c0_i32_0 : i32, i32
  }
  func.func @transform_11(%arg0: i32, %arg1: i32) -> (i32, i32) {
    %c0_i32 = arith.constant 0 : i32
    %c0_i32_0 = arith.constant 0 : i32
    %c0_i32_1 = arith.constant 0 : i32
    return %c0_i32, %c0_i32_0 : i32, i32
  }
  func.func @transform_12(%arg0: i32, %arg1: i32) -> (i32, i32) {
    %c0_i32 = arith.constant 0 : i32
    %c0_i32_0 = arith.constant 0 : i32
    %c0_i32_1 = arith.constant 0 : i32
    return %c0_i32, %c0_i32_0 : i32, i32
  }
  func.func @transform_13(%arg0: i32, %arg1: i32) -> (i32, i32) {
    %c0_i32 = arith.constant 0 : i32
    %c0_i32_0 = arith.constant 0 : i32
    %c0_i32_1 = arith.constant 0 : i32
    return %c0_i32, %c0_i32_0 : i32, i32
  }
  func.func @transform_14(%arg0: i32, %arg1: i32) -> (i32, i32) {
    %c0_i32 = arith.constant 0 : i32
    %c0_i32_0 = arith.constant 0 : i32
    %c0_i32_1 = arith.constant 0 : i32
    return %c0_i32, %c0_i32_0 : i32, i32
  }
  func.func @transform_15(%arg0: i32, %arg1: i32) -> (i32, i32) {
    %c0_i32 = arith.constant 0 : i32
    %c0_i32_0 = arith.constant 0 : i32
    return %arg0, %c0_i32 : i32, i32
  }
  func.func @transform_16(%arg0: i32, %arg1: i32) -> (i32, i32) {
    %c0_i32 = arith.constant 0 : i32
    %c0_i32_0 = arith.constant 0 : i32
    %c0_i32_1 = arith.constant 0 : i32
    return %c0_i32, %c0_i32_0 : i32, i32
  }
}

</mosaic_0001>

<sc_bundles>
// kernel: kernel.4.cloned.1.call-start
scs
__scs_entry_jumppad:
0x0: {  	(pc) =	sbr.rel $0x88, $3  }
0x1: {  	(tag) =	ssettag $0x0;
	lr =	simm.s32 $0x1  }
0x2: {  	[smem:$0x3F94] =	sst lr;
	_ =	strace $0xD0000000  }
0x3: {  	_ = 	snop  }
0x4: {  	_ = 	snop  }
0x5: {  	_ = 	snop  }
0x6: {  	_ = 	snop  }
0x7: {  	_ = 	snop  }
__scs_overlays_trampoline_lowered:
0x8: {  	[smem:$0x3FA3] =	sst s0  }
0x9: {  	[smem:$0x3FA4] =	sst s1  }
0xa: {  	[smem:$0x3FA5] =	sst s2  }
0xb: {  	[smem:$0x3FA6] =	sst s3  }
0xc: {  	[smem:$0x3FA7] =	sst s4  }
0xd: {  	[smem:$0x3FA8] =	sst s5  }
0xe: {  	[smem:$0x3FA9] =	sst s6  }
0xf: {  	[smem:$0x3FAA] =	sst s7  }
0x10: {  	[smem:$0x3FAB] =	sst s8  }
0x11: {  	[smem:$0x3FAC] =	sst s9;
	s0 =	simm.s32 @!p0 $0x0  }
0x12: {  	s1 =	sld [smem:$0x3F92];
	s0 =	simm.s32 @p0 $0x1  }
0x13: {  	[smem:$0x3FAD] =	sst s0;
	s0 =	simm.s32 @!p1 $0x0  }
0x14: {  	s2 =	sld [smem:$0x3F91];
	s0 =	simm.s32 @p1 $0x1  }
0x15: {  	[smem:$0x3FAE] =	sst s0;
	s0 =	simm.s32 @!p2 $0x0  }
0x16: {  	s3 =	sld [smem:$0x3FDB];
	s0 =	simm.s32 @p2 $0x1  }
0x17: {  	s4 =	simm.s32 $0x1BF5;
	[smem:$0x3FB0] =	sst s0  }
0x18: {  	s0 =	sld [smem:$0x3F93];
	_ =	swait.ge [sflag:s4], $0x0  }
0x19: {  	s7 =	sld [smem:$0x3F94]  }
0x1a: {  	s8 =	sadd.s32 $0xFFFFE003, lr  }
0x1b: {  	s9 =	sadd.s32 $0xFFFFFEF7, lr;
	s5 =	simm.s32 $0xFFFFFFFF;
	p2 =	slt.u32 s8, $0xFFFFF086  }
0x1c: {  	p1 =	slt.u32 s9, $0xF7A;
	s5 =	simm.s32 @!p2 $0x0  }
0x1d: {  	s5 =	simm.s32 @p1 $0x1;
	p0 =	seq.s32 s7, s2  }
0x1e: {  	s7 =	smul.u32 @!p0 $0xF7A, s2;
	p2 =	seq.s32 @!p0 s5, $0x0  }
0x1f: {  	s9 =	smul.u32 $0xF7A, s1;
	s8 =	simm.s32 @!p0 $0x1BF5;
	p2 =	por !p2, p0  }
0x20: {  	[sflag:s8] =	ssyncset.s32 @!p0 $0xFFFFF086;
	s6 =	sadd.s32 @!p0 s3, s7;
	s7 =	simm.s32 @!p0 $0x108  }
0x21: {  	s3 =	sadd.s32 s3, s9;
	s6 =	sadd.s32 @!p0 $0x88, s6;
	s7 =	simm.s32 @p2 $0x1082  }
0x22: {  	[simem:s7], [sflag:s8] =	dma.local @!p0 [hbm:s6], $0xF7A  }
0x23: {  	s9 =	sor.u32 $0xD0000000, s2;
	s6 =	simm.s32 $0x108;
	_ =	swait.ge @!p0 [sflag:s8], $0x0  }
0x24: {  	s3 =	sadd.s32 $0x88, s3;
	s6 =	simm.s32 @!p1 $0x1082;
	[sflag:s4] =	ssyncset.s32 $0xFFFFF086  }
0x25: {  	[simem:s6], [sflag:s4] =	dma.local [hbm:s3], $0xF7A  }
0x26: {  	[smem:$0x3F94] =	sst s1;
	(tag) =	ssettag s2;
	_ =	strace s9  }
0x27: {  	s1 =	sld [smem:$0x3FA4]  }
0x28: {  	s2 =	sld [smem:$0x3FA5]  }
0x29: {  	s4 =	sld [smem:$0x3FA7]  }
0x2a: {  	p0 =	seq.s32 s5, $0x0;
	s5 =	sld [smem:$0x3FA8]  }
0x2b: {  	s6 =	sld [smem:$0x3FA9]  }
0x2c: {  	s7 =	sld [smem:$0x3FAA]  }
0x2d: {  	s3 =	simm.s32 $0x108;
	s8 =	sld [smem:$0x3FAB]  }
0x2e: {  	s3 =	simm.s32 @!p0 $0x1082;
	s9 =	sld [smem:$0x3FAC]  }
0x2f: {  	lr =	sadd.s32 s0, s3;
	s0 =	sld [smem:$0x3FA3]  }
0x30: {  	s3 =	sld [smem:$0x3FA6]  }
0x31: {  	[smem:$0x3FAF] =	sst s10  }
0x32: {  	s10 =	sld [smem:$0x3FAD];
	_ =	sdelay $0x3  }
0x33: {  	p0 =	seq.s32 s10, $0x1;
	s10 =	sld [smem:$0x3FAF];
	_ =	sdelay $0x3  }
0x34: {  	[smem:$0x3FAF] =	sst s10  }
0x35: {  	s10 =	sld [smem:$0x3FAE];
	_ =	sdelay $0x3  }
0x36: {  	p1 =	seq.s32 s10, $0x1;
	s10 =	sld [smem:$0x3FAF];
	_ =	sdelay $0x3  }
0x37: {  	[smem:$0x3FAF] =	sst s10  }
0x38: {  	s10 =	sld [smem:$0x3FB0]  }
0x39: {  	_ = 	snop;
	(pc) =	sbr.ind lr, $3  }
0x3a: {  	_ = 	snop  }
0x3b: {  	_ = 	snop  }
0x3c: {  	p2 =	seq.s32 s10, $0x1;
	s10 =	sld [smem:$0x3FAF]  }
0x3d: {  	_ =	shalt  }
0x3e: {  	_ =	shalt  }
0x3f: {  	_ =	shalt  }
0x40: {  	_ =	shalt  }
0x41: {  	_ =	shalt  }
0x42: {  	_ =	shalt  }
0x43: {  	_ =	shalt  }
0x44: {  	_ =	shalt  }
0x45: {  	_ =	shalt  }
0x46: {  	_ =	shalt  }
0x47: {  	_ =	shalt  }
0x48: {  	_ =	shalt  }
0x49: {  	_ =	shalt  }
0x4a: {  	_ =	shalt  }
0x4b: {  	_ =	shalt  }
0x4c: {  	_ =	shalt  }
0x4d: {  	_ =	shalt  }
0x4e: {  	_ =	shalt  }
0x4f: {  	_ =	shalt  }
0x50: {  	_ =	shalt  }
0x51: {  	_ =	shalt  }
0x52: {  	_ =	shalt  }
0x53: {  	_ =	shalt  }
0x54: {  	_ =	shalt  }
0x55: {  	_ =	shalt  }
0x56: {  	_ =	shalt  }
0x57: {  	_ =	shalt  }
0x58: {  	_ =	shalt  }
0x59: {  	_ =	shalt  }
0x5a: {  	_ =	shalt  }
0x5b: {  	_ =	shalt  }
0x5c: {  	_ =	shalt  }
0x5d: {  	_ =	shalt  }
0x5e: {  	_ =	shalt  }
0x5f: {  	_ =	shalt  }
0x60: {  	_ =	shalt  }
0x61: {  	_ =	shalt  }
0x62: {  	_ =	shalt  }
0x63: {  	_ =	shalt  }
0x64: {  	_ =	shalt  }
0x65: {  	_ =	shalt  }
0x66: {  	_ =	shalt  }
0x67: {  	_ =	shalt  }
0x68: {  	_ =	shalt  }
0x69: {  	_ =	shalt  }
0x6a: {  	_ =	shalt  }
0x6b: {  	_ =	shalt  }
0x6c: {  	_ =	shalt  }
0x6d: {  	_ =	shalt  }
0x6e: {  	_ =	shalt  }
0x6f: {  	_ =	shalt  }
0x70: {  	_ =	shalt  }
0x71: {  	_ =	shalt  }
0x72: {  	_ =	shalt  }
0x73: {  	_ =	shalt  }
0x74: {  	_ =	shalt  }
0x75: {  	_ =	shalt  }
0x76: {  	_ =	shalt  }
0x77: {  	_ =	shalt  }
0x78: {  	_ =	shalt  }
0x79: {  	_ =	shalt  }
0x7a: {  	_ =	shalt  }
0x7b: {  	_ =	shalt  }
0x7c: {  	_ =	shalt  }
0x7d: {  	_ =	shalt  }
0x7e: {  	_ =	shalt  }
0x7f: {  	_ =	shalt  }
0x80: {  	_ =	shalt  }
0x81: {  	_ =	shalt  }
0x82: {  	_ =	shalt  }
0x83: {  	_ =	shalt  }
0x84: {  	_ =	shalt  }
0x85: {  	_ =	shalt  }
0x86: {  	_ =	shalt  }
0x87: {  	_ =	shalt  }
.Lfunc_end0:
.L_simem_size_0:
called_computation_lowered:
.L_overlay_start_0:
0x88: {  	s2 =	sld [smem:$0x3FD9]  }
0x89: {  	s3 =	sld [smem:$0x3FFE];
	_ =	sdelay $0x1  }
0x8a: {  	s1 =	srdreg.scid  }
0x8b: {  	s0 =	sand.u32 $0x1, s1  }
0x8c: {  	s14 =	sshll.u32 s0, $0xA;
	s2 =	sadd.s32 s3, s2  }
0x8d: {  	s2 =	sadd.s32 s2, s14  }
0x8e: {  	[smem:$0x3FBB] =	sst s2  }
0x8f: {  	_ = 	snop  }
0x90: {  	s2 =	sld [smem:$0x3FD0];
	_ =	sdelay $0x2  }
0x91: {  	s15 =	simm.s32 $0xA;
	s4 =	simm.s32 $0x10  }
0x92: {  	[smem:s4], [sflag:s15] =	dma.local [hbm:s2], $0x1  }
0x93: {  	_ =	swait.eq [sflag:s15], $0x1  }
0x94: {  	[sflag:s15] =	ssyncset.done $0x0  }
0x95: {  	[sflag:s15] =	ssyncadd.s32 $0xFFFFFFFF  }
0x96: {  	s16 =	sld [smem:$0x11];
	(tm) =	ssettm $0x1  }
0x97: {  	s17 =	sld [smem:$0x3FFB];
	_ =	sdelay $0x3  }
0x98: {  	_ =	strace s17  }
0x99: {  	s3 =	sld [smem:$0x3FFC];
	_ =	sdelay $0x3  }
0x9a: {  	_ =	strace s3  }
0x9b: {  	s3 =	sld [smem:$0x3FFD];
	_ =	sdelay $0x3  }
0x9c: {  	_ =	strace s3  }
0x9d: {  	_ =	strace $0x8FFFFFFF  }
0x9e: {  	s18 =	sld [smem:$0x3FDB];
	_ =	sdelay $0x1  }
0x9f: {  	s19 =	simm.s32 $_scs_section_size  }
0xa0: {  	s5 =	simm.s32 $_size__tile_overlayer_lowered;
	s6 =	simm.s32 $_tile_overlayer_lowered  }
0xa1: {  	s22 =	simm.s32 $0x1BFF;
	s21 =	sshll.u32 s6, $0x1;
	s3 =	sadd.s32 s19, s18  }
0xa2: {  	s7 =	simm.s32 $0x0;
	s20 =	sshll.u32 s5, $0x1;
	s5 =	sadd.s32 s21, s3  }
0xa3: {  	[timem:s7], [sflag:s22] =	dma.local [hbm:s5], s20  }
0xa4: {  	_ =	swait.ge [sflag:s22], s20  }
0xa5: {  	s4 =	ssub.s32 $0x0, s20;
	[sflag:s22] =	ssyncset.done $0x0  }
0xa6: {  	[sflag:s22] =	ssyncadd.s32 s4;
	_ =	sdelay $0x1  }
0xa7: {  	s23 =	simm.s32 $0x1B8B  }
0xa8: {  	_ =	swait.ge [sflag:s23], $0x1  }
0xa9: {  	[sflag:s23] =	ssyncset.done $0x0  }
0xaa: {  	s25 =	simm.s32 $0x1B8E;
	s24 =	sld [smem:$0x3FFE];
	[sflag:s23] =	ssyncadd.s32 $0xFFFFFFFF  }
0xab: {  	s26 =	simm.s32 $execute0_lowered;
	[smem:$0x3FD2] =	sst s25  }
0xac: {  	s5 =	sshll.u32 s26, $0x1;
	_ =	strace $0x80000046;
	[dreg:$0x1] =	wrdreg $0xFFFFFFFF  }
0xad: {  	s28 =	simm.s32 $_size_execute0_lowered;
	s3 =	sadd.s32 s3, s5;
	[dreg:$0x0] =	wrdreg $0x0  }
0xae: {  	s5 =	sshll.u32 s28, $0x1;
	[dreg:$0x2] =	wrdreg s3  }
0xaf: {  	[dreg:$0x3] =	wrdreg s5  }
0xb0: {  	[dreg:$0x4] =	wrdreg $0xC0  }
0xb1: {  	_ =	task [dreg:s7], $0x5FFFF  }
0xb2: {  	[dreg:$0x1] =	wrdreg $0xFFFFFFFF  }
0xb3: {  	[dreg:$0x0] =	wrdreg $0x60  }
0xb4: {  	[dreg:$0x2] =	wrdreg s24  }
0xb5: {  	[dreg:$0x3] =	wrdreg s16  }
0xb6: {  	[dreg:$0x4] =	wrdreg $0x7A000  }
0xb7: {  	[dreg:$0x5] =	wrdreg $0x9  }
0xb8: {  	_ =	task.clear_ibuf [dreg:s7], $0x6FFFF;
	_ =	strace $0x90000046  }
0xb9: {  	s29 =	simm.s32 $0x9;
	_ =	strace $0x80000048  }
0xba: {  	_ =	swait.ge [sflag:s29], $0x1  }
0xbb: {  	[sflag:s29] =	ssyncadd.s32 $0xFFFFFFFF  }
0xbc: {  	_ =	strace $0x90000048  }
0xbd: {  	_ =	sfence  }
0xbe: {  	s30 =	sld [smem:$0x0];
	_ =	sdelay $0x2  }
0xbf: {  	s31 =	sshll.u32 s1, $0xD;
	s1 =	sshrl.u32 s1, $0x2  }
0xc0: {  	s3 =	sand.u32 $0x4000, s31;
	s1 =	sadd.s32 s1, s30  }
0xc1: {  	s0 =	sor.u32 s3, s0;
	s1 =	sshll.u32 s1, $0x11  }
0xc2: {  	s0 =	sor.u32 s1, s0  }
0xc3: {  	s0 =	sadd.s32 $0x8F2B, s0  }
0xc4: {  	[sflag:s0] =	ssyncadd.remote.s32 $0x1  }
0xc5: {  	_ =	sfence.sel $0xFFFF  }
0xc6: {  	[dreg:$0x0] =	wrdreg $0xFFFFFFFF;
	(pc) =	sbr.abs _section_cstart, $3  }
0xc7: {  	[dreg:$0x1] =	wrdreg $0xFFFFFFFF  }
0xc8: {  	_ =	task.clear_ibuf [dreg:s7], $0x2FFFF;
	_ =	strace $0x9FFFFFFF  }
0xc9: {  	(tm) =	ssettm $0x7FFFFFFF  }
tec
execute0_lowered:
.L_overlay_start_1:
0x0: {  	(tag) =	ssettag $0x1  }
0x1: {  	s0 =	rddreg [dreg:$0x0]  }
0x2: {  	s1 =	rddreg [dreg:$0x1]  }
0x3: {  	s2 =	rddreg [dreg:$0x2]  }
0x4: {  	s17 =	stileid.u32;
	s4 =	srdreg.scid;
	s3 =	simm.s32 $0x0  }
0x5: {  	s28 =	simm.s32 $0x5200;
	s29 =	simm.s32 $0x1;
	s5 =	smul.u32 $0x13C00, s17  }
0x6: {  	s30 =	simm.s32 $0x2800;
	s31 =	simm.s32 $0x2;
	s9 =	smul.u32 $0xA00, s17  }
0x7: {  	s8 =	sand.u32 $0x1, s4;
	[smem:$0x7FF] =	sst s3;
	s12 =	smul.u32 $0x4F000, s17  }
0x8: {  	s4 =	sadd.s32 $0x5200, s0;
	s22 =	sshll.u32 s17, $0x1;
	s26 =	smul.u32 $0xA0, s17  }
0x9: {  	s14 =	sshrl.u32 s17, $0x2;
	s25 =	sshll.u32 s17, $0x6;
	s6 =	smul.u32 $0x13C000, s8  }
0xa: {  	_ =	strace $0x80000047;
	s21 =	ssub.s32 $0x2, s8;
	s14 =	smul.u32 $0x13C00, s14  }
0xb: {  	s18 =	smul.u32 $0x50, s8;
	s7 =	sshrl.u32 s5, $0x3;
	s13 =	sshrl.u32 s21, $0x1  }
0xc: {  	s12 =	sshrl.u32 s12, $0x2;
	s6 =	sadd.s32 s5, s6;
	s10 =	sadd.s32 s7, s0  }
0xd: {  	s5 =	sadd.s32 $0x1E00, s0;
	s7 =	sor.u32 s8, s22;
	s13 =	ssub.s32 s21, s13  }
0xe: {  	s16 =	sadd.s32 s12, s2;
	s21 =	smul.u32 $0x14, s17;
	s20 =	sshrl.u32 s6, $0x3  }
0xf: {  	s6 =	sadd.s32 $0x3800, s0;
	s15 =	sshll.u32 s7, $0x7;
	s10 =	sadd.s32 $0x2C400, s10  }
0x10: {  	s24 =	smul.u32 $0xA, s7;
	s22 =	smax.u32 s13, $0x1;
	s11 =	sadd.s32 s20, s0  }
0x11: {  	s0 =	sadd.s32 s9, s0;
	s23 =	sand.u32 $0x380, s15;
	[dreg:$0x4] =	wrdreg s10  }
0x12: {  	s20 =	smul.u32 $0x500, s8;
	[dreg:$0x9] =	wrdreg s22;
	s22 =	simm.s32 $0x0  }
0x13: {  	s9 =	sor.u32 s14, s23;
	s11 =	sadd.s32 $0x53C00, s11;
	s19 =	sadd.s32 s5, s24  }
0x14: {  	s10 =	sadd.s32 s6, s24;
	s23 =	smul.u32 $0xA, s8;
	[dreg:$0x6] =	wrdreg s11  }
0x15: {  	s24 =	sadd.s32 s21, s5;
	s14 =	sshrl.u32 s9, $0x3;
	[dreg:$0x7] =	wrdreg s19  }
0x16: {  	s9 =	sor.u32 $0x1C03, s25;
	[dreg:$0x8] =	wrdreg s10;
	s0 =	sadd.s32 s20, s0  }
0x17: {  	s10 =	sadd.s32 s21, s6;
	s19 =	sshrl.u32 s16, $0x3;
	s20 =	simm.s32 $0x3  }
0x18: {  	s21 =	simm.s32 $0x4;
	s1 =	sadd.s32 s1, s14;
	s0 =	sadd.s32 $0xA2C00, s0  }
0x19: {  	s25 =	sadd.s32 s23, s24;
	[dreg:$0x5] =	wrdreg s1;
	s1 =	sadd.s32 s18, s26  }
.Ltmp0:
0x1a: {  	[dreg:$0xb] =	wrdreg s0;
	s0 =	sadd.s32 $0x140, s25;
	(pc) =	sbr.rel .LBB2_1-.Ltmp0, $4  }
0x1b: {  	s24 =	simm.s32 $0x2780;
	s1 =	sadd.s32 $0x1400, s1;
	[dreg:$0xc] =	wrdreg s0  }
0x1c: {  	s25 =	simm.s32 $0x2A00;
	[dreg:$0xa] =	wrdreg s1;
	s1 =	sadd.s32 s23, s10  }
0x1d: {  	s0 =	simm.s32 $0x2900;
	s23 =	simm.s32 $0x50;
	s26 =	sadd.s32 $0x140, s1  }
0x1e: {  	s1 =	simm.s32 $0x2980;
	[dreg:$0xd] =	wrdreg s26;
	s26 =	simm.s32 $0x2880  }
.LBB2_9:
0x1f: {  	s22 =	sadd.s32 $0x1, s22;
	s8 =	rddreg [dreg:$0x9]  }
0x20: {  	p0 =	sne.s32 s22, s8  }
.Ltmp1:
0x21: {  	_ = 	snop;
	(pc) =	sbr.rel @!p0 .LBB2_10-.Ltmp1, $1  }
0x22: {  	_ =	sdelay $0x3  }
.LBB2_1:
0x23: {  	s8 =	rddreg [dreg:$0x4]  }
0x24: {  	[spmem:s19], [sflag:s9] =	dma.local [hbm:s8], $0x2780  }
0x25: {  	_ =	swait.ge [sflag:s20], $0x2780  }
0x26: {  	s10 =	simm.s32 $0x80;
	[sflag:s20] =	ssyncset.done $0x0  }
0x27: {  	s11 =	simm.s32 $0x400;
	s17 =	rddreg [dreg:$0x5];
	[sflag:s20] =	ssyncadd.s32 $0xFFFFD880  }
0x28: {  	[tilespmem:s3], [sflag:$0x3] =	stream.strided.gather [hbm4b:s17+s10], $0x2780, s11, s10, $0x38;
	[tilespmem:$0x1B600] =	vst v63  }
0x29: {  	_ =	swait.ge [sflag:s20], $0x2780  }
0x2a: {  	[sflag:s20] =	ssyncset.done $0x0  }
0x2b: {  	[sflag:s20] =	ssyncadd.s32 $0xFFFFD880  }
0x2c: {  	[bflag:$0x0] =	sbarrier.arrive $0xFFFF  }
0x2d: {  	v0 =	vld [tilespmem:$0x0];
	_ =	sdelay $0x1  }
0x2e: {  	v1 =	vld [tilespmem:$0x10];
	_ =	sdelay $0x1  }
0x2f: {  	v2 =	vld [tilespmem:$0x20]  }
0x30: {  	v3 =	vand.u32 $0xFFFF, v0  }
0x31: {  	v0 =	vshrl.u32 v0, $0x10;
	[tilespmem:$0x2780] =	vst v3;
	v3 =	vld [tilespmem:$0x30]  }
0x32: {  	[tilespmem:$0x2800] =	vst v0;
	v0 =	vand.u32 $0xFFFF, v1  }
0x33: {  	[tilespmem:$0x2790] =	vst v0;
	v0 =	vshrl.u32 v1, $0x10;
	v1 =	vld [tilespmem:$0x40]  }
0x34: {  	[tilespmem:$0x2810] =	vst v0;
	v0 =	vand.u32 $0xFFFF, v2  }
0x35: {  	[tilespmem:$0x27A0] =	vst v0;
	v0 =	vshrl.u32 v2, $0x10  }
0x36: {  	[tilespmem:$0x2820] =	vst v0;
	v0 =	vand.u32 $0xFFFF, v3  }
0x37: {  	[tilespmem:$0x27B0] =	vst v0;
	v0 =	vshrl.u32 v3, $0x10  }
0x38: {  	[tilespmem:$0x2830] =	vst v0;
	v0 =	vand.u32 $0xFFFF, v1  }
0x39: {  	[tilespmem:$0x27C0] =	vst v0;
	v0 =	vshrl.u32 v1, $0x10  }
0x3a: {  	s8 =	simm.s32 $0x70;
	[tilespmem:$0x2840] =	vst v0  }
0x3b: {  	[tilespmem:s25], [sflag:$0x1] =	stream.indirect.gather [hbm4b:s4+s23], $0x80, s24, s23, $0xb8;
	[tilespmem:$0x1B600] =	vst v63  }
0x3c: {  	v0 =	vld [tilespmem:s8+$0xFFFFFFE0];
	_ =	sdelay $0x4  }
0x3d: {  	v1 =	vand.u32 $0xFFFF, v0  }
0x3e: {  	v0 =	vshrl.u32 v0, $0x10;
	[tilespmem:$0x2880] =	vst v1  }
0x3f: {  	[tilespmem:$0x2900] =	vst v0  }
0x40: {  	v0 =	vld [tilespmem:s8+$0xFFFFFFF0];
	_ =	sdelay $0x4  }
0x41: {  	v1 =	vand.u32 $0xFFFF, v0  }
0x42: {  	v0 =	vshrl.u32 v0, $0x10;
	[tilespmem:$0x2890] =	vst v1  }
0x43: {  	[tilespmem:$0x2910] =	vst v0  }
0x44: {  	v0 =	vld [tilespmem:s8+$0x0];
	_ =	sdelay $0x4  }
0x45: {  	v1 =	vand.u32 $0xFFFF, v0  }
0x46: {  	v0 =	vshrl.u32 v0, $0x10;
	[tilespmem:$0x28A0] =	vst v1  }
0x47: {  	s18 =	sand.u32 $0x3FE0, s3;
	[tilespmem:$0x2920] =	vst v0  }
0x48: {  	v0 =	vld [tilespmem:s18+$0x80];
	_ =	sdelay $0x4  }
0x49: {  	v1 =	vand.u32 $0xFFFF, v0  }
0x4a: {  	v0 =	vshrl.u32 v0, $0x10;
	[tilespmem:$0x28B0] =	vst v1  }
0x4b: {  	[tilespmem:$0x2930] =	vst v0  }
0x4c: {  	v0 =	vld [tilespmem:s8+$0x20];
	_ =	sdelay $0x4  }
0x4d: {  	v1 =	vand.u32 $0xFFFF, v0  }
0x4e: {  	v0 =	vshrl.u32 v0, $0x10;
	[tilespmem:$0x28C0] =	vst v1  }
0x4f: {  	[tilespmem:$0x2940] =	vst v0  }
0x50: {  	[tilespmem:s28], [sflag:$0x2] =	stream.indirect.gather [hbm4b:s4+s23], $0x80, s26, s23, $0xb8;
	[tilespmem:$0x1B600] =	vst v63  }
0x51: {  	_ =	swait.ge [sflag:s29], $0x2800  }
0x52: {  	[sflag:s29] =	ssyncset.done $0x0  }
0x53: {  	[sflag:s29] =	ssyncadd.s32 $0xFFFFD800  }
0x54: {  	[spmem:s2] =	stream.indirect.scatter.add.f32 [tilespmem:s25], [sflag:$0x3], $0x80, s30, s23, $0xb8;
	[tilespmem:$0x1B600] =	vst v63  }
0x55: {  	_ =	swait.ge [sflag:s20], $0x2800  }
0x56: {  	[sflag:s20] =	ssyncset.done $0x0  }
0x57: {  	[sflag:s20] =	ssyncadd.s32 $0xFFFFD800  }
0x58: {  	v0 =	vld [tilespmem:s8+$0x30];
	_ =	sdelay $0x4  }
0x59: {  	v1 =	vand.u32 $0xFFFF, v0  }
0x5a: {  	v0 =	vshrl.u32 v0, $0x10;
	[tilespmem:$0x2780] =	vst v1  }
0x5b: {  	[tilespmem:$0x2800] =	vst v0  }
0x5c: {  	v0 =	vld [tilespmem:s8+$0x40];
	_ =	sdelay $0x4  }
0x5d: {  	v1 =	vand.u32 $0xFFFF, v0  }
0x5e: {  	v0 =	vshrl.u32 v0, $0x10;
	[tilespmem:$0x2790] =	vst v1  }
0x5f: {  	[tilespmem:$0x2810] =	vst v0  }
0x60: {  	v0 =	vld [tilespmem:s8+$0x50];
	_ =	sdelay $0x4  }
0x61: {  	v1 =	vand.u32 $0xFFFF, v0  }
0x62: {  	v0 =	vshrl.u32 v0, $0x10;
	[tilespmem:$0x27A0] =	vst v1  }
0x63: {  	[tilespmem:$0x2820] =	vst v0  }
0x64: {  	v0 =	vld [tilespmem:s8+$0x60];
	_ =	sdelay $0x4  }
0x65: {  	v1 =	vand.u32 $0xFFFF, v0  }
0x66: {  	v0 =	vshrl.u32 v0, $0x10;
	[tilespmem:$0x27B0] =	vst v1  }
0x67: {  	[tilespmem:$0x2830] =	vst v0  }
0x68: {  	s10 =	simm.s32 $0xA0;
	v0 =	vld [tilespmem:s8+$0x70]  }
.LBB2_2:
0x69: {  	_ =	sdelay $0x2  }
0x6a: {  	p0 =	sne.s32 s10, $0x2620  }
0x6b: {  	s8 =	sadd.s32 $0xA0, s8;
	s15 =	smov.u32 s10;
	s10 =	sadd.s32 $0xA0, s10;
	v1 =	vand.u32 $0xFFFF, v0;
	v0 =	vshrl.u32 v0, $0x10  }
0x6c: {  	[tilespmem:$0x27C0] =	vst v1  }
0x6d: {  	[tilespmem:$0x2840] =	vst v0  }
0x6e: {  	[tilespmem:s25], [sflag:$0x1] =	stream.indirect.gather [hbm4b:s4+s23], $0x80, s24, s23, $0xb8;
	[tilespmem:$0x1B600] =	vst v63  }
0x6f: {  	_ =	swait.ge [sflag:s31], $0x2800  }
0x70: {  	[sflag:s31] =	ssyncset.done $0x0  }
0x71: {  	[sflag:s31] =	ssyncadd.s32 $0xFFFFD800  }
0x72: {  	[spmem:s2] =	stream.indirect.scatter.add.f32 [tilespmem:s28], [sflag:$0x3], $0x80, s0, s23, $0xb8;
	[tilespmem:$0x1B600] =	vst v63  }
0x73: {  	_ =	swait.ge [sflag:s20], $0x2800  }
0x74: {  	[sflag:s20] =	ssyncset.done $0x0  }
0x75: {  	[sflag:s20] =	ssyncadd.s32 $0xFFFFD800  }
0x76: {  	v0 =	vld [tilespmem:s8+$0xFFFFFFE0];
	_ =	sdelay $0x4  }
0x77: {  	v1 =	vand.u32 $0xFFFF, v0;
	v0 =	vshrl.u32 v0, $0x10  }
0x78: {  	[tilespmem:$0x2880] =	vst v1  }
0x79: {  	[tilespmem:$0x2900] =	vst v0  }
0x7a: {  	v0 =	vld [tilespmem:s8+$0xFFFFFFF0];
	_ =	sdelay $0x4  }
0x7b: {  	v1 =	vand.u32 $0xFFFF, v0;
	v0 =	vshrl.u32 v0, $0x10  }
0x7c: {  	[tilespmem:$0x2890] =	vst v1  }
0x7d: {  	[tilespmem:$0x2910] =	vst v0  }
0x7e: {  	v0 =	vld [tilespmem:s8+$0x0];
	_ =	sdelay $0x3  }
0x7f: {  	s15 =	sand.u32 $0x3FE0, s15  }
0x80: {  	v1 =	vand.u32 $0xFFFF, v0;
	v0 =	vshrl.u32 v0, $0x10  }
0x81: {  	[tilespmem:$0x28A0] =	vst v1  }
0x82: {  	[tilespmem:$0x2920] =	vst v0  }
0x83: {  	v0 =	vld [tilespmem:s15+$0x80];
	_ =	sdelay $0x4  }
0x84: {  	v1 =	vand.u32 $0xFFFF, v0;
	v0 =	vshrl.u32 v0, $0x10  }
0x85: {  	[tilespmem:$0x28B0] =	vst v1  }
0x86: {  	[tilespmem:$0x2930] =	vst v0  }
0x87: {  	v0 =	vld [tilespmem:s8+$0x20];
	_ =	sdelay $0x4  }
0x88: {  	v1 =	vand.u32 $0xFFFF, v0;
	v0 =	vshrl.u32 v0, $0x10  }
0x89: {  	[tilespmem:$0x28C0] =	vst v1  }
0x8a: {  	[tilespmem:$0x2940] =	vst v0  }
0x8b: {  	[tilespmem:s28], [sflag:$0x2] =	stream.indirect.gather [hbm4b:s4+s23], $0x80, s26, s23, $0xb8;
	[tilespmem:$0x1B600] =	vst v63  }
0x8c: {  	_ =	swait.ge [sflag:s29], $0x2800  }
0x8d: {  	[sflag:s29] =	ssyncset.done $0x0  }
0x8e: {  	[sflag:s29] =	ssyncadd.s32 $0xFFFFD800  }
0x8f: {  	[spmem:s2] =	stream.indirect.scatter.add.f32 [tilespmem:s25], [sflag:$0x3], $0x80, s30, s23, $0xb8;
	[tilespmem:$0x1B600] =	vst v63  }
0x90: {  	_ =	swait.ge [sflag:s20], $0x2800  }
0x91: {  	[sflag:s20] =	ssyncset.done $0x0  }
0x92: {  	[sflag:s20] =	ssyncadd.s32 $0xFFFFD800  }
0x93: {  	v0 =	vld [tilespmem:s8+$0x30];
	_ =	sdelay $0x4  }
0x94: {  	v1 =	vand.u32 $0xFFFF, v0;
	v0 =	vshrl.u32 v0, $0x10  }
0x95: {  	[tilespmem:$0x2780] =	vst v1  }
0x96: {  	[tilespmem:$0x2800] =	vst v0  }
0x97: {  	v0 =	vld [tilespmem:s8+$0x40];
	_ =	sdelay $0x4  }
0x98: {  	v1 =	vand.u32 $0xFFFF, v0;
	v0 =	vshrl.u32 v0, $0x10  }
0x99: {  	[tilespmem:$0x2790] =	vst v1  }
0x9a: {  	[tilespmem:$0x2810] =	vst v0  }
0x9b: {  	v0 =	vld [tilespmem:s8+$0x50];
	_ =	sdelay $0x4  }
0x9c: {  	v1 =	vand.u32 $0xFFFF, v0;
	v0 =	vshrl.u32 v0, $0x10  }
0x9d: {  	[tilespmem:$0x27A0] =	vst v1  }
0x9e: {  	[tilespmem:$0x2820] =	vst v0  }
0x9f: {  	v0 =	vld [tilespmem:s8+$0x60];
	_ =	sdelay $0x3  }
.Ltmp2:
0xa0: {  	(pc) =	sbr.rel @p0 .LBB2_2-.Ltmp2, $4  }
0xa1: {  	v1 =	vand.u32 $0xFFFF, v0;
	v0 =	vshrl.u32 v0, $0x10  }
0xa2: {  	[tilespmem:$0x27B0] =	vst v1  }
0xa3: {  	[tilespmem:$0x2830] =	vst v0  }
0xa4: {  	v0 =	vld [tilespmem:s8+$0x70]  }
0xa5: {  	_ =	sdelay $0x3  }
0xa6: {  	v1 =	vand.u32 $0xFFFF, v0  }
0xa7: {  	v57 =	vshrl.u32 v0, $0x10;
	[tilespmem:$0x27C0] =	vst v1  }
0xa8: {  	[tilespmem:$0x2840] =	vst v57  }
0xa9: {  	[tilespmem:s25], [sflag:$0x1] =	stream.indirect.gather [hbm4b:s4+s23], $0x80, s24, s23, $0xb8;
	[tilespmem:$0x1B600] =	vst v63  }
0xaa: {  	_ =	swait.ge [sflag:s31], $0x2800  }
0xab: {  	[sflag:s31] =	ssyncset.done $0x0  }
0xac: {  	[sflag:s31] =	ssyncadd.s32 $0xFFFFD800  }
0xad: {  	[spmem:s2] =	stream.indirect.scatter.add.f32 [tilespmem:s28], [sflag:$0x3], $0x80, s0, s23, $0xb8;
	[tilespmem:$0x1B600] =	vst v63  }
0xae: {  	_ =	swait.ge [sflag:s20], $0x2800  }
0xaf: {  	[sflag:s20] =	ssyncset.done $0x0  }
0xb0: {  	[sflag:s20] =	ssyncadd.s32 $0xFFFFD800  }
0xb1: {  	_ =	swait.ge [sflag:s29], $0x2800  }
0xb2: {  	[sflag:s29] =	ssyncset.done $0x0  }
0xb3: {  	[sflag:s29] =	ssyncadd.s32 $0xFFFFD800  }
0xb4: {  	[spmem:s2] =	stream.indirect.scatter.add.f32 [tilespmem:s25], [sflag:$0x3], $0x80, s30, s23, $0xb8;
	[tilespmem:$0x1B600] =	vst v63  }
0xb5: {  	_ =	swait.ge [sflag:s20], $0x2800  }
0xb6: {  	[sflag:s20] =	ssyncset.done $0x0  }
0xb7: {  	[sflag:s20] =	ssyncadd.s32 $0xFFFFD800  }
0xb8: {  	[bflag:$0x0] =	sbarrier.arrive $0xFFFF  }
0xb9: {  	s8 =	rddreg [dreg:$0x6]  }
0xba: {  	[hbm:s8], [sflag:s9] =	dma.local [spmem:s19], $0x2780  }
0xbb: {  	_ =	swait.ge [sflag:s20], $0x2780  }
0xbc: {  	[sflag:s20] =	ssyncset.done $0x0  }
0xbd: {  	s8 =	simm.s32 $0x0;
	s10 =	rddreg [dreg:$0x7];
	[sflag:s20] =	ssyncadd.s32 $0xFFFFD880  }
0xbe: {  	[tilespmem:s24], [sflag:$0x3] =	stream.linear.gather [hbm4b:s10+s8], $0x50, $0x38;
	[tilespmem:$0x1B600] =	vst v63  }
0xbf: {  	_ =	swait.ge [sflag:s20], $0x50  }
0xc0: {  	[sflag:s20] =	ssyncset.done $0x0  }
0xc1: {  	s18 =	rddreg [dreg:$0x8];
	[sflag:s20] =	ssyncadd.s32 $0xFFFFFFB0  }
0xc2: {  	[tilespmem:s1], [sflag:$0x3] =	stream.linear.gather [hbm4b:s18+s8], $0x50, $0x38;
	[tilespmem:$0x1B600] =	vst v63  }
0xc3: {  	_ =	swait.ge [sflag:s20], $0x50  }
0xc4: {  	[sflag:s20] =	ssyncset.done $0x0  }
0xc5: {  	[sflag:s20] =	ssyncadd.s32 $0xFFFFFFB0  }
0xc6: {  	v58 =	vld [tilespmem:$0x2980]  }
0xc7: {  	v59 =	vld [tilespmem:$0x2780]  }
0xc8: {  	v2 =	vld [tilespmem:$0x2990]  }
0xc9: {  	v3 =	vld [tilespmem:$0x2790]  }
0xca: {  	v4 =	vld [tilespmem:$0x29A0]  }
0xcb: {  	v5 =	vld [tilespmem:$0x27A0]  }
0xcc: {  	v6 =	vld [tilespmem:$0x29B0]  }
0xcd: {  	v7 =	vld [tilespmem:$0x27B0]  }
0xce: {  	v8 =	vld [tilespmem:$0x29C0]  }
0xcf: {  	v60 =	vld [tilespmem:$0x27C0];
	vm0 =	vgt.f32 v58, $0.0e+00  }
0xd0: {  	vm12 =	vgt.f32 v2, $0.0e+00;
	v1 =	vnsel vm0, $0x2710, v59  }
0xd1: {  	vm13 =	vgt.f32 v4, $0.0e+00;
	v61 =	vnsel vm12, $0x2710, v3;
	[tilespmem:$0x2780] =	vst v1  }
.Ltmp3:
0xd2: {  	s10 =	rddreg [dreg:$0xd];
	vm14 =	vgt.f32 v6, $0.0e+00;
	v62 =	vnsel vm13, $0x2710, v5;
	[tilespmem:$0x2790] =	vst v61;
	(pc) =	sbr.rel .LBB2_4-.Ltmp3, $4  }
0xd3: {  	s17 =	rddreg [dreg:$0xc];
	vm15 =	vgt.f32 v8, $0.0e+00;
	v63 =	vnsel vm14, $0x2710, v7;
	[tilespmem:$0x27A0] =	vst v62  }
0xd4: {  	s16 =	rddreg [dreg:$0xb];
	v0 =	vnsel vm15, $0x2710, v60;
	[tilespmem:$0x27B0] =	vst v63  }
0xd5: {  	s15 =	rddreg [dreg:$0xa];
	[tilespmem:$0x27C0] =	vst v0  }
0xd6: {  	[tilespmem:s25], [sflag:$0x1] =	stream.indirect.gather [hbm4b:s4+s23], $0x80, s24, s23, $0xb8;
	[tilespmem:$0x1B600] =	vst v63  }
.LBB2_5:
0xd7: {  	s11 =	sshrl.u32 s15, $0x3  }
0xd8: {  	s12 =	sadd.s32 s5, s11  }
0xd9: {  	[tilespmem:s24], [sflag:$0x4] =	stream.linear.gather [hbm4b:s12+s3], $0x50, $0x38;
	[tilespmem:$0x1B600] =	vst v63  }
0xda: {  	_ =	swait.ge [sflag:s21], $0x50  }
0xdb: {  	[sflag:s21] =	ssyncset.done $0x0  }
0xdc: {  	s11 =	sadd.s32 s6, s11;
	[sflag:s21] =	ssyncadd.s32 $0xFFFFFFB0  }
0xdd: {  	[tilespmem:s1], [sflag:$0x4] =	stream.linear.gather [hbm4b:s11+s3], $0x50, $0x38;
	[tilespmem:$0x1B600] =	vst v63  }
0xde: {  	_ =	swait.ge [sflag:s21], $0x50  }
0xdf: {  	[sflag:s21] =	ssyncset.done $0x0  }
0xe0: {  	[sflag:s21] =	ssyncadd.s32 $0xFFFFFFB0  }
0xe1: {  	v0 =	vld [tilespmem:$0x2980]  }
0xe2: {  	v1 =	vld [tilespmem:$0x2780]  }
0xe3: {  	v2 =	vld [tilespmem:$0x2990]  }
0xe4: {  	v3 =	vld [tilespmem:$0x2790]  }
0xe5: {  	v4 =	vld [tilespmem:$0x29A0]  }
0xe6: {  	v5 =	vld [tilespmem:$0x27A0]  }
0xe7: {  	v6 =	vld [tilespmem:$0x29B0]  }
0xe8: {  	v7 =	vld [tilespmem:$0x27B0]  }
0xe9: {  	v8 =	vld [tilespmem:$0x29C0]  }
0xea: {  	v60 =	vld [tilespmem:$0x27C0];
	vm0 =	vgt.f32 v0, $0.0e+00  }
0xeb: {  	vm12 =	vgt.f32 v2, $0.0e+00;
	v1 =	vnsel vm0, $0x2710, v1  }
0xec: {  	vm13 =	vgt.f32 v4, $0.0e+00;
	v61 =	vnsel vm12, $0x2710, v3;
	[tilespmem:$0x2780] =	vst v1  }
0xed: {  	vm14 =	vgt.f32 v6, $0.0e+00;
	v62 =	vnsel vm13, $0x2710, v5;
	[tilespmem:$0x2790] =	vst v61  }
0xee: {  	vm15 =	vgt.f32 v8, $0.0e+00;
	v63 =	vnsel vm14, $0x2710, v7;
	[tilespmem:$0x27A0] =	vst v62  }
0xef: {  	v0 =	vnsel vm15, $0x2710, v60;
	[tilespmem:$0x27B0] =	vst v63  }
0xf0: {  	[tilespmem:$0x27C0] =	vst v0  }
0xf1: {  	[tilespmem:s25], [sflag:$0x1] =	stream.indirect.gather [hbm4b:s4+s23], $0x80, s24, s23, $0xb8;
	[tilespmem:$0x1B600] =	vst v63  }
.LBB2_7:
0xf2: {  	_ =	swait.ge [sflag:s31], $0x2800  }
0xf3: {  	[sflag:s31] =	ssyncset.done $0x0  }
0xf4: {  	s11 =	sadd.s32 $0xA000, s16;
	[sflag:s31] =	ssyncadd.s32 $0xFFFFD800  }
0xf5: {  	[hbm4b:s11+s3] =	stream.linear.scatter [tilespmem:s28], [sflag:$0x3], $0x2800, $0x38;
	[tilespmem:$0x1B600] =	vst v63  }
0xf6: {  	_ =	swait.ge [sflag:s20], $0x2800  }
0xf7: {  	[sflag:s20] =	ssyncset.done $0x0  }
0xf8: {  	[sflag:s20] =	ssyncadd.s32 $0xFFFFD800  }
.LBB2_8:
0xf9: {  	s8 =	sadd.s32 $0x40, s8  }
0xfa: {  	p0 =	sne.s32 s8, $0x280  }
.Ltmp4:
0xfb: {  	_ = 	snop;
	(pc) =	sbr.rel @!p0 .LBB2_9-.Ltmp4, $3  }
0xfc: {  	_ =	sdelay $0x1  }
0xfd: {  	s15 =	sadd.s32 $0x1400, s15  }
0xfe: {  	s16 =	sadd.s32 $0x14000, s16;
	s17 =	sadd.s32 $0x280, s17;
	s10 =	sadd.s32 $0x280, s10  }
.LBB2_4:
0xff: {  	s14 =	sadd.s32 s8, s7  }
0x100: {  	s13 =	sadd.s32 $0x20, s14  }
0x101: {  	p0 =	sgt.u32 s13, $0x270  }
0x102: {  	s13 =	simm.s32 @!p0 $0x0;
	s12 =	simm.s32 @!p0 $0x2880;
	s11 =	simm.s32 @!p0 $0x4  }
0x103: {  	[tilespmem:s12], [sflag:$0x4] =	stream.linear.gather @!p0 [hbm4b:s17+s13], $0x50, $0x38;
	[tilespmem:$0x1B600] =	vst v63  }
0x104: {  	_ =	swait.ge @!p0 [sflag:s11], $0x50  }
0x105: {  	[sflag:s11] =	ssyncset.done @!p0 $0x0  }
0x106: {  	s18 =	simm.s32 @!p0 $0x2980;
	[sflag:s11] =	ssyncadd.s32 @!p0 $0xFFFFFFB0  }
0x107: {  	[tilespmem:s18], [sflag:$0x4] =	stream.linear.gather @!p0 [hbm4b:s10+s13], $0x50, $0x38;
	[tilespmem:$0x1B600] =	vst v63  }
0x108: {  	_ =	swait.ge @!p0 [sflag:s11], $0x50  }
0x109: {  	[sflag:s11] =	ssyncset.done @!p0 $0x0  }
0x10a: {  	[sflag:s11] =	ssyncadd.s32 @!p0 $0xFFFFFFB0  }
0x10b: {  	v0 =	vld @!p0 [tilespmem:$0x2980]  }
0x10c: {  	v1 =	vld @!p0 [tilespmem:$0x2880]  }
0x10d: {  	v2 =	vld @!p0 [tilespmem:$0x2990]  }
0x10e: {  	v3 =	vld @!p0 [tilespmem:$0x2890]  }
0x10f: {  	v4 =	vld @!p0 [tilespmem:$0x29A0]  }
0x110: {  	v5 =	vld @!p0 [tilespmem:$0x28A0]  }
0x111: {  	v6 =	vld @!p0 [tilespmem:$0x29B0]  }
0x112: {  	v7 =	vld @!p0 [tilespmem:$0x28B0]  }
0x113: {  	v8 =	vld @!p0 [tilespmem:$0x29C0]  }
0x114: {  	vm0 =	vgt.f32 @!p0 v0, $0.0e+00;
	v0 =	vld @!p0 [tilespmem:$0x28C0]  }
0x115: {  	v1 =	vnsel @!p0 vm0, $0x2710, v1;
	vm0 =	vgt.f32 @!p0 v2, $0.0e+00  }
0x116: {  	[tilespmem:$0x2880] =	vst @!p0 v1;
	v1 =	vnsel @!p0 vm0, $0x2710, v3;
	vm0 =	vgt.f32 @!p0 v4, $0.0e+00  }
0x117: {  	[tilespmem:$0x2890] =	vst @!p0 v1;
	v1 =	vnsel @!p0 vm0, $0x2710, v5;
	vm0 =	vgt.f32 @!p0 v6, $0.0e+00  }
0x118: {  	[tilespmem:$0x28A0] =	vst @!p0 v1;
	v1 =	vnsel @!p0 vm0, $0x2710, v7;
	vm0 =	vgt.f32 @!p0 v8, $0.0e+00  }
0x119: {  	[tilespmem:$0x28B0] =	vst @!p0 v1;
	v0 =	vnsel @!p0 vm0, $0x2710, v0  }
0x11a: {  	s13 =	simm.s32 @!p0 $0x5200;
	s11 =	simm.s32 @!p0 $0x50;
	[tilespmem:$0x28C0] =	vst @!p0 v0  }
0x11b: {  	[tilespmem:s13], [sflag:$0x2] =	stream.indirect.gather @!p0 [hbm4b:s4+s11], $0x80, s12, s11, $0xb8;
	[tilespmem:$0x1B600] =	vst v63  }
0x11c: {  	_ =	swait.ge [sflag:s29], $0x2800  }
0x11d: {  	p1 =	sgt.u32 s14, $0x230;
	[sflag:s29] =	ssyncset.done $0x0  }
.Ltmp5:
0x11e: {  	[sflag:s29] =	ssyncadd.s32 $0xFFFFD800;
	(pc) =	sbr.rel @!p1 .LBB2_5-.Ltmp5, $4  }
0x11f: {  	[hbm4b:s16+s3] =	stream.linear.scatter [tilespmem:s25], [sflag:$0x4], $0x2800, $0x38;
	[tilespmem:$0x1B600] =	vst v63  }
0x120: {  	_ =	swait.ge [sflag:s21], $0x2800  }
0x121: {  	[sflag:s21] =	ssyncset.done $0x0  }
0x122: {  	[sflag:s21] =	ssyncadd.s32 $0xFFFFD800  }
.Ltmp6:
0x123: {  	(pc) =	sbr.rel @p0 .LBB2_8-.Ltmp6, $4  }
.Ltmp7:
0x124: {  	(pc) =	sbr.rel @!p0 .LBB2_7-.Ltmp7, $4  }
0x125: {  	_ = 	snop  }
0x126: {  	_ = 	snop  }
0x127: {  	_ = 	snop  }
0x128: {  	_ = 	snop  }
.LBB2_10:
0x129: {  	_ =	sfence.sel $0x180000  }
0x12a: {  	[bflag:$0x0] =	sbarrier.arrive $0xFFFF  }
0x12b: {  	_ =	strace $0x90000047  }
0x12c: {  	s0 =	stileid.u32;
	[bflag:$0x2] =	sbarrier.arrive $0xFFFF  }
0x12d: {  	p0 =	sne.s32 s0, $0x0;
	s0 =	rddreg [dreg:$0x3]  }
0x12e: {  	s0 =	sadd.s32 @!p0 $0x100000, s0  }
0x12f: {  	[sflag:s0] =	ssyncadd.tile.s32 @!p0 $0x1;
	_ =	shalt  }
.Lfunc_end2:
_tile_overlayer_lowered:
.L_overlay_start_2:
0x130: {  	(tag) =	ssettag $0x2  }
0x131: {  	s0 =	rddreg [dreg:$0x0];
	s2 =	stileid.u32  }
0x132: {  	s1 =	rddreg [dreg:$0x1];
	p0 =	sne.s32 s2, $0x0  }
0x133: {  	s3 =	rddreg [dreg:$0x2];
	[bflag:$0x3] =	sbarrier.arrive $0xFFFF;
	s2 =	simm.s32 @!p0 $0x1C03  }
0x134: {  	[timem:s3], [sflag:s2] =	dma.local @!p0 [hbm:s0], s1  }
0x135: {  	s0 =	simm.s32 @!p0 $0x3  }
0x136: {  	_ =	swait.ge @!p0 [sflag:s0], s1  }
0x137: {  	s1 =	ssub.s32 @!p0 $0x0, s1;
	[sflag:s0] =	ssyncset.done @!p0 $0x0  }
0x138: {  	[sflag:s0] =	ssyncadd.s32 @!p0 s1  }
0x139: {  	[bflag:$0x3] =	sbarrier.arrive $0xFFFF  }
0x13a: {  	_ =	shalt  }

</sc_bundles>
